<compile_context>
chip_gen: v7x
topology: tpu7x:2x2x1
jax: 0.10.2.dev20260603
libtpu: 0.0.44.dev20260713+nightly
codegen_flags: <defaults>
</compile_context>

<pallas_src>
import jax
import jax.numpy as jnp
from jax import lax
from jax.experimental import pallas as pl
from jax.experimental.pallas import tpu as pltpu
from jax.experimental.pallas import tpu_sc as plsc

_EMBED = 4096
_ROWS = 1024
_L = 20
_NC = 2
_NS = 16
_NW = _NC * _NS
_RPW = _ROWS // _NW
_C = 8
_Q = _RPW // _C
_NCHUNK = _L * _Q
_NBUF = 3
_MAIN = _NCHUNK - (_NCHUNK % _NBUF)


def _emb_body(table_hbm, x_hbm, out_hbm, xv, idx_v,
              buf0, buf1, buf2, g0, g1, g2, o0, o1, o2):
    bufs = (buf0, buf1, buf2)
    gsems = (g0, g1, g2)
    osems = (o0, o1, o2)

    wid = lax.axis_index("s") * _NC + lax.axis_index("c")
    row_base = wid * _RPW
    pltpu.sync_copy(x_hbm.at[pl.ds(row_base, _RPW)], xv)

    lane = lax.iota(jnp.int32, 16)
    hi = lax.shift_right_logical(lane, 3)
    lo = lax.bitwise_and(lane, 7)
    for m in range(_NCHUNK // 2):
        c0 = 2 * m
        j = c0 // _Q
        q0 = c0 % _Q
        rows = q0 * _C + lane
        cols = jnp.full((16,), j, jnp.int32)
        v = plsc.load_gather(xv, [rows, cols])
        plsc.store_scatter(idx_v, [c0 + hi, lo], v)

    def out_slice(c):
        i0 = row_base + (c % _Q) * _C
        col0 = (c // _Q) * _EMBED
        return out_hbm.at[pl.ds(i0, _C), pl.ds(col0, _EMBED)]

    def gather_start(c, b):
        pltpu.async_copy(table_hbm.at[idx_v.at[c]], bufs[b], gsems[b])

    def gather_wait(c, b):
        pltpu.make_async_copy(table_hbm.at[idx_v.at[c]], bufs[b], gsems[b]).wait()

    def out_start(c, b):
        pltpu.async_copy(bufs[b], out_slice(c), osems[b])

    def out_wait(c, b):
        pltpu.make_async_copy(bufs[b], out_slice(c), osems[b]).wait()

    gather_start(0, 0)
    gather_start(1, 1)

    def step(c, b):
        gather_wait(c, b)
        out_start(c, b)
        b2 = (b + 2) % _NBUF

        @pl.when(c + 2 < _NCHUNK)
        def _():
            @pl.when(c >= 1)
            def _():
                out_wait(c - 1, b2)

            gather_start(c + 2, b2)

    @pl.loop(0, _MAIN, step=_NBUF)
    def _(g):
        for b in range(_NBUF):
            step(g + b, b)

    for c in range(_MAIN, _NCHUNK):
        step(c, c % _NBUF)

    for c in range(_NCHUNK - _NBUF, _NCHUNK):
        out_wait(c, c % _NBUF)


@jax.jit
def kernel(x, table):
    mesh = plsc.VectorSubcoreMesh(core_axis_name="c", subcore_axis_name="s")
    return pl.kernel(
        _emb_body,
        out_type=jax.ShapeDtypeStruct((_ROWS, _L * _EMBED), jnp.float32),
        mesh=mesh,
        compiler_params=pltpu.CompilerParams(needs_layout_passes=False),
        scratch_types=[
            pltpu.VMEM((_RPW, _L), jnp.int32),
            pltpu.VMEM((_NCHUNK, _C), jnp.int32),
            pltpu.VMEM((_C, _EMBED), jnp.float32),
            pltpu.VMEM((_C, _EMBED), jnp.float32),
            pltpu.VMEM((_C, _EMBED), jnp.float32),
            pltpu.SemaphoreType.DMA,
            pltpu.SemaphoreType.DMA,
            pltpu.SemaphoreType.DMA,
            pltpu.SemaphoreType.DMA,
            pltpu.SemaphoreType.DMA,
            pltpu.SemaphoreType.DMA,
        ],
    )(table, x.astype(jnp.int32))

# --- scband reference (transcript-rebuilt; emitter-appended) ---
"""Pipeline reference for scband-my-model-61933428409884 (READ-ONLY COPY).

The authoritative reference and input builder live on the scoring server;
editing this copy changes nothing except your own understanding.
"""

import jax, jax.numpy as jnp
import numpy as np

VOCAB = 30000
EMBED = 4096

def setup_inputs(seed: int = 0) -> dict:
    key = jax.random.key(seed)
    k1, k2 = jax.random.split(key)
    x = jax.random.randint(k1, (1024, 20), 0, VOCAB, dtype=jnp.int64 if jax.config.jax_enable_x64 else jnp.int32)
    table = jax.random.normal(k2, (VOCAB, EMBED), dtype=jnp.float32)
    return {"x": x, "table": table}

def reference(x, table):
    emb = jnp.take(table, x, axis=0)  # [B, L, EMBED]
    return emb.reshape(emb.shape[0], -1)

if __name__ == "__main__":
    import jax
    _d = setup_inputs()
    print(jax.jit(kernel)(*tuple(_d.values())))

</pallas_src>

<mosaic_0001>
#map = affine_map<(d0, d1) -> (0, 0)>
module attributes {stable_mosaic.version = 14 : i64} {
  func.func @_emb_body(%arg0: i32, %arg1: i32, %arg2: memref<30000x4096xf32, #tpu.memory_space<hbm>>, %arg3: memref<1024x20xi32, #tpu.memory_space<hbm>>, %arg4: memref<1024x81920xf32, #tpu.memory_space<hbm>>, %arg5: memref<32x20xi32, #tpu.memory_space<vmem>>, %arg6: memref<80x8xi32, #tpu.memory_space<vmem>>, %arg7: memref<8x4096xf32, #tpu.memory_space<vmem>>, %arg8: memref<8x4096xf32, #tpu.memory_space<vmem>>, %arg9: memref<8x4096xf32, #tpu.memory_space<vmem>>, %arg10: memref<!tpu.dma_semaphore, #tpu.memory_space<semaphore_mem>>, %arg11: memref<!tpu.dma_semaphore, #tpu.memory_space<semaphore_mem>>, %arg12: memref<!tpu.dma_semaphore, #tpu.memory_space<semaphore_mem>>, %arg13: memref<!tpu.dma_semaphore, #tpu.memory_space<semaphore_mem>>, %arg14: memref<!tpu.dma_semaphore, #tpu.memory_space<semaphore_mem>>, %arg15: memref<!tpu.dma_semaphore, #tpu.memory_space<semaphore_mem>>) attributes {dimension_semantics = [#tpu.dimension_semantics<core_parallel>, #tpu.dimension_semantics<subcore_parallel>], iteration_bounds = array<i64: 2, 16>, scalar_prefetch = 0 : i64, scratch_operands = 11 : i64, tpu.core_type = #tpu.core_type<sc_vector_subcore>, window_params = [{transform_indices = #map}, {transform_indices = #map}, {transform_indices = #map}]} {
    %mul3A = arith.constant 2 : i32
    %mul3A_0 = arith.muli %arg1, %mul3A : i32
    %add3A = arith.addi %mul3A_0, %arg0 : i32
    %mul3A_1 = arith.constant 32 : i32
    %mul3A_2 = arith.muli %add3A, %mul3A_1 : i32
    "tpu.region"() ({
      %run_scoped3A = tpu.sem_alloc : memref<!tpu.dma_semaphore, #tpu.memory_space<semaphore_mem>>
      %dma_start3A_425 = arith.constant 0 : i32
      %dma_start3A_426 = tpu.memref_slice %arg3[%mul3A_2, %dma_start3A_425] : memref<1024x20xi32, #tpu.memory_space<hbm>> -> memref<32x20xi32, #tpu.memory_space<hbm>>
      %dma_start3A_427 = arith.constant 0 : i32
      %dma_start3A_428 = tpu.memref_slice %arg3[%mul3A_2, %dma_start3A_427] : memref<1024x20xi32, #tpu.memory_space<hbm>> -> memref<32x20xi32, #tpu.memory_space<hbm>>
      tpu.enqueue_dma source(%dma_start3A_428 : memref<32x20xi32, #tpu.memory_space<hbm>>) target(%arg5 : memref<32x20xi32, #tpu.memory_space<vmem>>) target_semaphore(%run_scoped3A : memref<!tpu.dma_semaphore, #tpu.memory_space<semaphore_mem>>)
      %dma_wait3A_429 = arith.constant 0 : i32
      %dma_wait3A_430 = tpu.memref_slice %arg3[%mul3A_2, %dma_wait3A_429] : memref<1024x20xi32, #tpu.memory_space<hbm>> -> memref<32x20xi32, #tpu.memory_space<hbm>>
      %dma_wait3A_431 = arith.constant 0 : i32
      %dma_wait3A_432 = tpu.memref_slice %arg3[%mul3A_2, %dma_wait3A_431] : memref<1024x20xi32, #tpu.memory_space<hbm>> -> memref<32x20xi32, #tpu.memory_space<hbm>>
      tpu.wait_dma2 semaphore(%run_scoped3A : memref<!tpu.dma_semaphore, #tpu.memory_space<semaphore_mem>>) src(%dma_wait3A_432 : memref<32x20xi32, #tpu.memory_space<hbm>>) dst(%arg5 : memref<32x20xi32, #tpu.memory_space<vmem>>)
      tpu.yield
    }) : () -> ()
    %iota3A = tpu.iota {dimensions = array<i32: 0>} : vector<16xi32>
    %shift_right_logical3A = arith.constant 3 : i32
    %shift_right_logical3A_3 = vector.broadcast %shift_right_logical3A : i32 to vector<16xi32>
    %shift_right_logical3A_4 = arith.shrui %iota3A, %shift_right_logical3A_3 : vector<16xi32>
    %and3A = arith.constant 7 : i32
    %and3A_5 = vector.broadcast %and3A : i32 to vector<16xi32>
    %and3A_6 = arith.andi %iota3A, %and3A_5 : vector<16xi32>
    %add3A_7 = arith.constant 0 : i32
    %add3A_8 = vector.broadcast %add3A_7 : i32 to vector<16xi32>
    %add3A_9 = arith.addi %add3A_8, %iota3A : vector<16xi32>
    %broadcast_in_dim3A = arith.constant 0 : i32
    %broadcast_in_dim3A_10 = vector.broadcast %broadcast_in_dim3A : i32 to vector<16xi32>
    %gather3A = tpu.vector_load_idx %arg5[%add3A_9, %broadcast_in_dim3A_10] : memref<32x20xi32, #tpu.memory_space<vmem>>[vector<16xi32>, vector<16xi32>], vector<16xi32>,
    %add3A_11 = arith.constant 0 : i32
    %add3A_12 = vector.broadcast %add3A_11 : i32 to vector<16xi32>
    %add3A_13 = arith.addi %add3A_12, %shift_right_logical3A_4 : vector<16xi32>
    tpu.vector_store_idx %arg6[%add3A_13, %and3A_6], %gather3A : memref<80x8xi32, #tpu.memory_space<vmem>>[vector<16xi32>, vector<16xi32>], vector<16xi32>,
    %add3A_14 = arith.constant 16 : i32
    %add3A_15 = vector.broadcast %add3A_14 : i32 to vector<16xi32>
    %add3A_16 = arith.addi %add3A_15, %iota3A : vector<16xi32>
    %broadcast_in_dim3A_17 = arith.constant 0 : i32
    %broadcast_in_dim3A_18 = vector.broadcast %broadcast_in_dim3A_17 : i32 to vector<16xi32>
    %gather3A_19 = tpu.vector_load_idx %arg5[%add3A_16, %broadcast_in_dim3A_18] : memref<32x20xi32, #tpu.memory_space<vmem>>[vector<16xi32>, vector<16xi32>], vector<16xi32>,
    %add3A_20 = arith.constant 2 : i32
    %add3A_21 = vector.broadcast %add3A_20 : i32 to vector<16xi32>
    %add3A_22 = arith.addi %add3A_21, %shift_right_logical3A_4 : vector<16xi32>
    tpu.vector_store_idx %arg6[%add3A_22, %and3A_6], %gather3A_19 : memref<80x8xi32, #tpu.memory_space<vmem>>[vector<16xi32>, vector<16xi32>], vector<16xi32>,
    %add3A_23 = arith.constant 0 : i32
    %add3A_24 = vector.broadcast %add3A_23 : i32 to vector<16xi32>
    %add3A_25 = arith.addi %add3A_24, %iota3A : vector<16xi32>
    %broadcast_in_dim3A_26 = arith.constant 1 : i32
    %broadcast_in_dim3A_27 = vector.broadcast %broadcast_in_dim3A_26 : i32 to vector<16xi32>
    %gather3A_28 = tpu.vector_load_idx %arg5[%add3A_25, %broadcast_in_dim3A_27] : memref<32x20xi32, #tpu.memory_space<vmem>>[vector<16xi32>, vector<16xi32>], vector<16xi32>,
    %add3A_29 = arith.constant 4 : i32
    %add3A_30 = vector.broadcast %add3A_29 : i32 to vector<16xi32>
    %add3A_31 = arith.addi %add3A_30, %shift_right_logical3A_4 : vector<16xi32>
    tpu.vector_store_idx %arg6[%add3A_31, %and3A_6], %gather3A_28 : memref<80x8xi32, #tpu.memory_space<vmem>>[vector<16xi32>, vector<16xi32>], vector<16xi32>,
    %add3A_32 = arith.constant 16 : i32
    %add3A_33 = vector.broadcast %add3A_32 : i32 to vector<16xi32>
    %add3A_34 = arith.addi %add3A_33, %iota3A : vector<16xi32>
    %broadcast_in_dim3A_35 = arith.constant 1 : i32
    %broadcast_in_dim3A_36 = vector.broadcast %broadcast_in_dim3A_35 : i32 to vector<16xi32>
    %gather3A_37 = tpu.vector_load_idx %arg5[%add3A_34, %broadcast_in_dim3A_36] : memref<32x20xi32, #tpu.memory_space<vmem>>[vector<16xi32>, vector<16xi32>], vector<16xi32>,
    %add3A_38 = arith.constant 6 : i32
    %add3A_39 = vector.broadcast %add3A_38 : i32 to vector<16xi32>
    %add3A_40 = arith.addi %add3A_39, %shift_right_logical3A_4 : vector<16xi32>
    tpu.vector_store_idx %arg6[%add3A_40, %and3A_6], %gather3A_37 : memref<80x8xi32, #tpu.memory_space<vmem>>[vector<16xi32>, vector<16xi32>], vector<16xi32>,
    %add3A_41 = arith.constant 0 : i32
    %add3A_42 = vector.broadcast %add3A_41 : i32 to vector<16xi32>
    %add3A_43 = arith.addi %add3A_42, %iota3A : vector<16xi32>
    %broadcast_in_dim3A_44 = arith.constant 2 : i32
    %broadcast_in_dim3A_45 = vector.broadcast %broadcast_in_dim3A_44 : i32 to vector<16xi32>
    %gather3A_46 = tpu.vector_load_idx %arg5[%add3A_43, %broadcast_in_dim3A_45] : memref<32x20xi32, #tpu.memory_space<vmem>>[vector<16xi32>, vector<16xi32>], vector<16xi32>,
    %add3A_47 = arith.constant 8 : i32
    %add3A_48 = vector.broadcast %add3A_47 : i32 to vector<16xi32>
    %add3A_49 = arith.addi %add3A_48, %shift_right_logical3A_4 : vector<16xi32>
    tpu.vector_store_idx %arg6[%add3A_49, %and3A_6], %gather3A_46 : memref<80x8xi32, #tpu.memory_space<vmem>>[vector<16xi32>, vector<16xi32>], vector<16xi32>,
    %add3A_50 = arith.constant 16 : i32
    %add3A_51 = vector.broadcast %add3A_50 : i32 to vector<16xi32>
    %add3A_52 = arith.addi %add3A_51, %iota3A : vector<16xi32>
    %broadcast_in_dim3A_53 = arith.constant 2 : i32
    %broadcast_in_dim3A_54 = vector.broadcast %broadcast_in_dim3A_53 : i32 to vector<16xi32>
    %gather3A_55 = tpu.vector_load_idx %arg5[%add3A_52, %broadcast_in_dim3A_54] : memref<32x20xi32, #tpu.memory_space<vmem>>[vector<16xi32>, vector<16xi32>], vector<16xi32>,
    %add3A_56 = arith.constant 10 : i32
    %add3A_57 = vector.broadcast %add3A_56 : i32 to vector<16xi32>
    %add3A_58 = arith.addi %add3A_57, %shift_right_logical3A_4 : vector<16xi32>
    tpu.vector_store_idx %arg6[%add3A_58, %and3A_6], %gather3A_55 : memref<80x8xi32, #tpu.memory_space<vmem>>[vector<16xi32>, vector<16xi32>], vector<16xi32>,
    %add3A_59 = arith.constant 0 : i32
    %add3A_60 = vector.broadcast %add3A_59 : i32 to vector<16xi32>
    %add3A_61 = arith.addi %add3A_60, %iota3A : vector<16xi32>
    %broadcast_in_dim3A_62 = arith.constant 3 : i32
    %broadcast_in_dim3A_63 = vector.broadcast %broadcast_in_dim3A_62 : i32 to vector<16xi32>
    %gather3A_64 = tpu.vector_load_idx %arg5[%add3A_61, %broadcast_in_dim3A_63] : memref<32x20xi32, #tpu.memory_space<vmem>>[vector<16xi32>, vector<16xi32>], vector<16xi32>,
    %add3A_65 = arith.constant 12 : i32
    %add3A_66 = vector.broadcast %add3A_65 : i32 to vector<16xi32>
    %add3A_67 = arith.addi %add3A_66, %shift_right_logical3A_4 : vector<16xi32>
    tpu.vector_store_idx %arg6[%add3A_67, %and3A_6], %gather3A_64 : memref<80x8xi32, #tpu.memory_space<vmem>>[vector<16xi32>, vector<16xi32>], vector<16xi32>,
    %add3A_68 = arith.constant 16 : i32
    %add3A_69 = vector.broadcast %add3A_68 : i32 to vector<16xi32>
    %add3A_70 = arith.addi %add3A_69, %iota3A : vector<16xi32>
    %broadcast_in_dim3A_71 = arith.constant 3 : i32
    %broadcast_in_dim3A_72 = vector.broadcast %broadcast_in_dim3A_71 : i32 to vector<16xi32>
    %gather3A_73 = tpu.vector_load_idx %arg5[%add3A_70, %broadcast_in_dim3A_72] : memref<32x20xi32, #tpu.memory_space<vmem>>[vector<16xi32>, vector<16xi32>], vector<16xi32>,
    %add3A_74 = arith.constant 14 : i32
    %add3A_75 = vector.broadcast %add3A_74 : i32 to vector<16xi32>
    %add3A_76 = arith.addi %add3A_75, %shift_right_logical3A_4 : vector<16xi32>
    tpu.vector_store_idx %arg6[%add3A_76, %and3A_6], %gather3A_73 : memref<80x8xi32, #tpu.memory_space<vmem>>[vector<16xi32>, vector<16xi32>], vector<16xi32>,
    %add3A_77 = arith.constant 0 : i32
    %add3A_78 = vector.broadcast %add3A_77 : i32 to vector<16xi32>
    %add3A_79 = arith.addi %add3A_78, %iota3A : vector<16xi32>
    %broadcast_in_dim3A_80 = arith.constant 4 : i32
    %broadcast_in_dim3A_81 = vector.broadcast %broadcast_in_dim3A_80 : i32 to vector<16xi32>
    %gather3A_82 = tpu.vector_load_idx %arg5[%add3A_79, %broadcast_in_dim3A_81] : memref<32x20xi32, #tpu.memory_space<vmem>>[vector<16xi32>, vector<16xi32>], vector<16xi32>,
    %add3A_83 = arith.constant 16 : i32
    %add3A_84 = vector.broadcast %add3A_83 : i32 to vector<16xi32>
    %add3A_85 = arith.addi %add3A_84, %shift_right_logical3A_4 : vector<16xi32>
    tpu.vector_store_idx %arg6[%add3A_85, %and3A_6], %gather3A_82 : memref<80x8xi32, #tpu.memory_space<vmem>>[vector<16xi32>, vector<16xi32>], vector<16xi32>,
    %add3A_86 = arith.constant 16 : i32
    %add3A_87 = vector.broadcast %add3A_86 : i32 to vector<16xi32>
    %add3A_88 = arith.addi %add3A_87, %iota3A : vector<16xi32>
    %broadcast_in_dim3A_89 = arith.constant 4 : i32
    %broadcast_in_dim3A_90 = vector.broadcast %broadcast_in_dim3A_89 : i32 to vector<16xi32>
    %gather3A_91 = tpu.vector_load_idx %arg5[%add3A_88, %broadcast_in_dim3A_90] : memref<32x20xi32, #tpu.memory_space<vmem>>[vector<16xi32>, vector<16xi32>], vector<16xi32>,
    %add3A_92 = arith.constant 18 : i32
    %add3A_93 = vector.broadcast %add3A_92 : i32 to vector<16xi32>
    %add3A_94 = arith.addi %add3A_93, %shift_right_logical3A_4 : vector<16xi32>
    tpu.vector_store_idx %arg6[%add3A_94, %and3A_6], %gather3A_91 : memref<80x8xi32, #tpu.memory_space<vmem>>[vector<16xi32>, vector<16xi32>], vector<16xi32>,
    %add3A_95 = arith.constant 0 : i32
    %add3A_96 = vector.broadcast %add3A_95 : i32 to vector<16xi32>
    %add3A_97 = arith.addi %add3A_96, %iota3A : vector<16xi32>
    %broadcast_in_dim3A_98 = arith.constant 5 : i32
    %broadcast_in_dim3A_99 = vector.broadcast %broadcast_in_dim3A_98 : i32 to vector<16xi32>
    %gather3A_100 = tpu.vector_load_idx %arg5[%add3A_97, %broadcast_in_dim3A_99] : memref<32x20xi32, #tpu.memory_space<vmem>>[vector<16xi32>, vector<16xi32>], vector<16xi32>,
    %add3A_101 = arith.constant 20 : i32
    %add3A_102 = vector.broadcast %add3A_101 : i32 to vector<16xi32>
    %add3A_103 = arith.addi %add3A_102, %shift_right_logical3A_4 : vector<16xi32>
    tpu.vector_store_idx %arg6[%add3A_103, %and3A_6], %gather3A_100 : memref<80x8xi32, #tpu.memory_space<vmem>>[vector<16xi32>, vector<16xi32>], vector<16xi32>,
    %add3A_104 = arith.constant 16 : i32
    %add3A_105 = vector.broadcast %add3A_104 : i32 to vector<16xi32>
    %add3A_106 = arith.addi %add3A_105, %iota3A : vector<16xi32>
    %broadcast_in_dim3A_107 = arith.constant 5 : i32
    %broadcast_in_dim3A_108 = vector.broadcast %broadcast_in_dim3A_107 : i32 to vector<16xi32>
    %gather3A_109 = tpu.vector_load_idx %arg5[%add3A_106, %broadcast_in_dim3A_108] : memref<32x20xi32, #tpu.memory_space<vmem>>[vector<16xi32>, vector<16xi32>], vector<16xi32>,
    %add3A_110 = arith.constant 22 : i32
    %add3A_111 = vector.broadcast %add3A_110 : i32 to vector<16xi32>
    %add3A_112 = arith.addi %add3A_111, %shift_right_logical3A_4 : vector<16xi32>
    tpu.vector_store_idx %arg6[%add3A_112, %and3A_6], %gather3A_109 : memref<80x8xi32, #tpu.memory_space<vmem>>[vector<16xi32>, vector<16xi32>], vector<16xi32>,
    %add3A_113 = arith.constant 0 : i32
    %add3A_114 = vector.broadcast %add3A_113 : i32 to vector<16xi32>
    %add3A_115 = arith.addi %add3A_114, %iota3A : vector<16xi32>
    %broadcast_in_dim3A_116 = arith.constant 6 : i32
    %broadcast_in_dim3A_117 = vector.broadcast %broadcast_in_dim3A_116 : i32 to vector<16xi32>
    %gather3A_118 = tpu.vector_load_idx %arg5[%add3A_115, %broadcast_in_dim3A_117] : memref<32x20xi32, #tpu.memory_space<vmem>>[vector<16xi32>, vector<16xi32>], vector<16xi32>,
    %add3A_119 = arith.constant 24 : i32
    %add3A_120 = vector.broadcast %add3A_119 : i32 to vector<16xi32>
    %add3A_121 = arith.addi %add3A_120, %shift_right_logical3A_4 : vector<16xi32>
    tpu.vector_store_idx %arg6[%add3A_121, %and3A_6], %gather3A_118 : memref<80x8xi32, #tpu.memory_space<vmem>>[vector<16xi32>, vector<16xi32>], vector<16xi32>,
    %add3A_122 = arith.constant 16 : i32
    %add3A_123 = vector.broadcast %add3A_122 : i32 to vector<16xi32>
    %add3A_124 = arith.addi %add3A_123, %iota3A : vector<16xi32>
    %broadcast_in_dim3A_125 = arith.constant 6 : i32
    %broadcast_in_dim3A_126 = vector.broadcast %broadcast_in_dim3A_125 : i32 to vector<16xi32>
    %gather3A_127 = tpu.vector_load_idx %arg5[%add3A_124, %broadcast_in_dim3A_126] : memref<32x20xi32, #tpu.memory_space<vmem>>[vector<16xi32>, vector<16xi32>], vector<16xi32>,
    %add3A_128 = arith.constant 26 : i32
    %add3A_129 = vector.broadcast %add3A_128 : i32 to vector<16xi32>
    %add3A_130 = arith.addi %add3A_129, %shift_right_logical3A_4 : vector<16xi32>
    tpu.vector_store_idx %arg6[%add3A_130, %and3A_6], %gather3A_127 : memref<80x8xi32, #tpu.memory_space<vmem>>[vector<16xi32>, vector<16xi32>], vector<16xi32>,
    %add3A_131 = arith.constant 0 : i32
    %add3A_132 = vector.broadcast %add3A_131 : i32 to vector<16xi32>
    %add3A_133 = arith.addi %add3A_132, %iota3A : vector<16xi32>
    %broadcast_in_dim3A_134 = arith.constant 7 : i32
    %broadcast_in_dim3A_135 = vector.broadcast %broadcast_in_dim3A_134 : i32 to vector<16xi32>
    %gather3A_136 = tpu.vector_load_idx %arg5[%add3A_133, %broadcast_in_dim3A_135] : memref<32x20xi32, #tpu.memory_space<vmem>>[vector<16xi32>, vector<16xi32>], vector<16xi32>,
    %add3A_137 = arith.constant 28 : i32
    %add3A_138 = vector.broadcast %add3A_137 : i32 to vector<16xi32>
    %add3A_139 = arith.addi %add3A_138, %shift_right_logical3A_4 : vector<16xi32>
    tpu.vector_store_idx %arg6[%add3A_139, %and3A_6], %gather3A_136 : memref<80x8xi32, #tpu.memory_space<vmem>>[vector<16xi32>, vector<16xi32>], vector<16xi32>,
    %add3A_140 = arith.constant 16 : i32
    %add3A_141 = vector.broadcast %add3A_140 : i32 to vector<16xi32>
    %add3A_142 = arith.addi %add3A_141, %iota3A : vector<16xi32>
    %broadcast_in_dim3A_143 = arith.constant 7 : i32
    %broadcast_in_dim3A_144 = vector.broadcast %broadcast_in_dim3A_143 : i32 to vector<16xi32>
    %gather3A_145 = tpu.vector_load_idx %arg5[%add3A_142, %broadcast_in_dim3A_144] : memref<32x20xi32, #tpu.memory_space<vmem>>[vector<16xi32>, vector<16xi32>], vector<16xi32>,
    %add3A_146 = arith.constant 30 : i32
    %add3A_147 = vector.broadcast %add3A_146 : i32 to vector<16xi32>
    %add3A_148 = arith.addi %add3A_147, %shift_right_logical3A_4 : vector<16xi32>
    tpu.vector_store_idx %arg6[%add3A_148, %and3A_6], %gather3A_145 : memref<80x8xi32, #tpu.memory_space<vmem>>[vector<16xi32>, vector<16xi32>], vector<16xi32>,
    %add3A_149 = arith.constant 0 : i32
    %add3A_150 = vector.broadcast %add3A_149 : i32 to vector<16xi32>
    %add3A_151 = arith.addi %add3A_150, %iota3A : vector<16xi32>
    %broadcast_in_dim3A_152 = arith.constant 8 : i32
    %broadcast_in_dim3A_153 = vector.broadcast %broadcast_in_dim3A_152 : i32 to vector<16xi32>
    %gather3A_154 = tpu.vector_load_idx %arg5[%add3A_151, %broadcast_in_dim3A_153] : memref<32x20xi32, #tpu.memory_space<vmem>>[vector<16xi32>, vector<16xi32>], vector<16xi32>,
    %add3A_155 = arith.constant 32 : i32
    %add3A_156 = vector.broadcast %add3A_155 : i32 to vector<16xi32>
    %add3A_157 = arith.addi %add3A_156, %shift_right_logical3A_4 : vector<16xi32>
    tpu.vector_store_idx %arg6[%add3A_157, %and3A_6], %gather3A_154 : memref<80x8xi32, #tpu.memory_space<vmem>>[vector<16xi32>, vector<16xi32>], vector<16xi32>,
    %add3A_158 = arith.constant 16 : i32
    %add3A_159 = vector.broadcast %add3A_158 : i32 to vector<16xi32>
    %add3A_160 = arith.addi %add3A_159, %iota3A : vector<16xi32>
    %broadcast_in_dim3A_161 = arith.constant 8 : i32
    %broadcast_in_dim3A_162 = vector.broadcast %broadcast_in_dim3A_161 : i32 to vector<16xi32>
    %gather3A_163 = tpu.vector_load_idx %arg5[%add3A_160, %broadcast_in_dim3A_162] : memref<32x20xi32, #tpu.memory_space<vmem>>[vector<16xi32>, vector<16xi32>], vector<16xi32>,
    %add3A_164 = arith.constant 34 : i32
    %add3A_165 = vector.broadcast %add3A_164 : i32 to vector<16xi32>
    %add3A_166 = arith.addi %add3A_165, %shift_right_logical3A_4 : vector<16xi32>
    tpu.vector_store_idx %arg6[%add3A_166, %and3A_6], %gather3A_163 : memref<80x8xi32, #tpu.memory_space<vmem>>[vector<16xi32>, vector<16xi32>], vector<16xi32>,
    %add3A_167 = arith.constant 0 : i32
    %add3A_168 = vector.broadcast %add3A_167 : i32 to vector<16xi32>
    %add3A_169 = arith.addi %add3A_168, %iota3A : vector<16xi32>
    %broadcast_in_dim3A_170 = arith.constant 9 : i32
    %broadcast_in_dim3A_171 = vector.broadcast %broadcast_in_dim3A_170 : i32 to vector<16xi32>
    %gather3A_172 = tpu.vector_load_idx %arg5[%add3A_169, %broadcast_in_dim3A_171] : memref<32x20xi32, #tpu.memory_space<vmem>>[vector<16xi32>, vector<16xi32>], vector<16xi32>,
    %add3A_173 = arith.constant 36 : i32
    %add3A_174 = vector.broadcast %add3A_173 : i32 to vector<16xi32>
    %add3A_175 = arith.addi %add3A_174, %shift_right_logical3A_4 : vector<16xi32>
    tpu.vector_store_idx %arg6[%add3A_175, %and3A_6], %gather3A_172 : memref<80x8xi32, #tpu.memory_space<vmem>>[vector<16xi32>, vector<16xi32>], vector<16xi32>,
    %add3A_176 = arith.constant 16 : i32
    %add3A_177 = vector.broadcast %add3A_176 : i32 to vector<16xi32>
    %add3A_178 = arith.addi %add3A_177, %iota3A : vector<16xi32>
    %broadcast_in_dim3A_179 = arith.constant 9 : i32
    %broadcast_in_dim3A_180 = vector.broadcast %broadcast_in_dim3A_179 : i32 to vector<16xi32>
    %gather3A_181 = tpu.vector_load_idx %arg5[%add3A_178, %broadcast_in_dim3A_180] : memref<32x20xi32, #tpu.memory_space<vmem>>[vector<16xi32>, vector<16xi32>], vector<16xi32>,
    %add3A_182 = arith.constant 38 : i32
    %add3A_183 = vector.broadcast %add3A_182 : i32 to vector<16xi32>
    %add3A_184 = arith.addi %add3A_183, %shift_right_logical3A_4 : vector<16xi32>
    tpu.vector_store_idx %arg6[%add3A_184, %and3A_6], %gather3A_181 : memref<80x8xi32, #tpu.memory_space<vmem>>[vector<16xi32>, vector<16xi32>], vector<16xi32>,
    %add3A_185 = arith.constant 0 : i32
    %add3A_186 = vector.broadcast %add3A_185 : i32 to vector<16xi32>
    %add3A_187 = arith.addi %add3A_186, %iota3A : vector<16xi32>
    %broadcast_in_dim3A_188 = arith.constant 10 : i32
    %broadcast_in_dim3A_189 = vector.broadcast %broadcast_in_dim3A_188 : i32 to vector<16xi32>
    %gather3A_190 = tpu.vector_load_idx %arg5[%add3A_187, %broadcast_in_dim3A_189] : memref<32x20xi32, #tpu.memory_space<vmem>>[vector<16xi32>, vector<16xi32>], vector<16xi32>,
    %add3A_191 = arith.constant 40 : i32
    %add3A_192 = vector.broadcast %add3A_191 : i32 to vector<16xi32>
    %add3A_193 = arith.addi %add3A_192, %shift_right_logical3A_4 : vector<16xi32>
    tpu.vector_store_idx %arg6[%add3A_193, %and3A_6], %gather3A_190 : memref<80x8xi32, #tpu.memory_space<vmem>>[vector<16xi32>, vector<16xi32>], vector<16xi32>,
    %add3A_194 = arith.constant 16 : i32
    %add3A_195 = vector.broadcast %add3A_194 : i32 to vector<16xi32>
    %add3A_196 = arith.addi %add3A_195, %iota3A : vector<16xi32>
    %broadcast_in_dim3A_197 = arith.constant 10 : i32
    %broadcast_in_dim3A_198 = vector.broadcast %broadcast_in_dim3A_197 : i32 to vector<16xi32>
    %gather3A_199 = tpu.vector_load_idx %arg5[%add3A_196, %broadcast_in_dim3A_198] : memref<32x20xi32, #tpu.memory_space<vmem>>[vector<16xi32>, vector<16xi32>], vector<16xi32>,
    %add3A_200 = arith.constant 42 : i32
    %add3A_201 = vector.broadcast %add3A_200 : i32 to vector<16xi32>
    %add3A_202 = arith.addi %add3A_201, %shift_right_logical3A_4 : vector<16xi32>
    tpu.vector_store_idx %arg6[%add3A_202, %and3A_6], %gather3A_199 : memref<80x8xi32, #tpu.memory_space<vmem>>[vector<16xi32>, vector<16xi32>], vector<16xi32>,
    %add3A_203 = arith.constant 0 : i32
    %add3A_204 = vector.broadcast %add3A_203 : i32 to vector<16xi32>
    %add3A_205 = arith.addi %add3A_204, %iota3A : vector<16xi32>
    %broadcast_in_dim3A_206 = arith.constant 11 : i32
    %broadcast_in_dim3A_207 = vector.broadcast %broadcast_in_dim3A_206 : i32 to vector<16xi32>
    %gather3A_208 = tpu.vector_load_idx %arg5[%add3A_205, %broadcast_in_dim3A_207] : memref<32x20xi32, #tpu.memory_space<vmem>>[vector<16xi32>, vector<16xi32>], vector<16xi32>,
    %add3A_209 = arith.constant 44 : i32
    %add3A_210 = vector.broadcast %add3A_209 : i32 to vector<16xi32>
    %add3A_211 = arith.addi %add3A_210, %shift_right_logical3A_4 : vector<16xi32>
    tpu.vector_store_idx %arg6[%add3A_211, %and3A_6], %gather3A_208 : memref<80x8xi32, #tpu.memory_space<vmem>>[vector<16xi32>, vector<16xi32>], vector<16xi32>,
    %add3A_212 = arith.constant 16 : i32
    %add3A_213 = vector.broadcast %add3A_212 : i32 to vector<16xi32>
    %add3A_214 = arith.addi %add3A_213, %iota3A : vector<16xi32>
    %broadcast_in_dim3A_215 = arith.constant 11 : i32
    %broadcast_in_dim3A_216 = vector.broadcast %broadcast_in_dim3A_215 : i32 to vector<16xi32>
    %gather3A_217 = tpu.vector_load_idx %arg5[%add3A_214, %broadcast_in_dim3A_216] : memref<32x20xi32, #tpu.memory_space<vmem>>[vector<16xi32>, vector<16xi32>], vector<16xi32>,
    %add3A_218 = arith.constant 46 : i32
    %add3A_219 = vector.broadcast %add3A_218 : i32 to vector<16xi32>
    %add3A_220 = arith.addi %add3A_219, %shift_right_logical3A_4 : vector<16xi32>
    tpu.vector_store_idx %arg6[%add3A_220, %and3A_6], %gather3A_217 : memref<80x8xi32, #tpu.memory_space<vmem>>[vector<16xi32>, vector<16xi32>], vector<16xi32>,
    %add3A_221 = arith.constant 0 : i32
    %add3A_222 = vector.broadcast %add3A_221 : i32 to vector<16xi32>
    %add3A_223 = arith.addi %add3A_222, %iota3A : vector<16xi32>
    %broadcast_in_dim3A_224 = arith.constant 12 : i32
    %broadcast_in_dim3A_225 = vector.broadcast %broadcast_in_dim3A_224 : i32 to vector<16xi32>
    %gather3A_226 = tpu.vector_load_idx %arg5[%add3A_223, %broadcast_in_dim3A_225] : memref<32x20xi32, #tpu.memory_space<vmem>>[vector<16xi32>, vector<16xi32>], vector<16xi32>,
    %add3A_227 = arith.constant 48 : i32
    %add3A_228 = vector.broadcast %add3A_227 : i32 to vector<16xi32>
    %add3A_229 = arith.addi %add3A_228, %shift_right_logical3A_4 : vector<16xi32>
    tpu.vector_store_idx %arg6[%add3A_229, %and3A_6], %gather3A_226 : memref<80x8xi32, #tpu.memory_space<vmem>>[vector<16xi32>, vector<16xi32>], vector<16xi32>,
    %add3A_230 = arith.constant 16 : i32
    %add3A_231 = vector.broadcast %add3A_230 : i32 to vector<16xi32>
    %add3A_232 = arith.addi %add3A_231, %iota3A : vector<16xi32>
    %broadcast_in_dim3A_233 = arith.constant 12 : i32
    %broadcast_in_dim3A_234 = vector.broadcast %broadcast_in_dim3A_233 : i32 to vector<16xi32>
    %gather3A_235 = tpu.vector_load_idx %arg5[%add3A_232, %broadcast_in_dim3A_234] : memref<32x20xi32, #tpu.memory_space<vmem>>[vector<16xi32>, vector<16xi32>], vector<16xi32>,
    %add3A_236 = arith.constant 50 : i32
    %add3A_237 = vector.broadcast %add3A_236 : i32 to vector<16xi32>
    %add3A_238 = arith.addi %add3A_237, %shift_right_logical3A_4 : vector<16xi32>
    tpu.vector_store_idx %arg6[%add3A_238, %and3A_6], %gather3A_235 : memref<80x8xi32, #tpu.memory_space<vmem>>[vector<16xi32>, vector<16xi32>], vector<16xi32>,
    %add3A_239 = arith.constant 0 : i32
    %add3A_240 = vector.broadcast %add3A_239 : i32 to vector<16xi32>
    %add3A_241 = arith.addi %add3A_240, %iota3A : vector<16xi32>
    %broadcast_in_dim3A_242 = arith.constant 13 : i32
    %broadcast_in_dim3A_243 = vector.broadcast %broadcast_in_dim3A_242 : i32 to vector<16xi32>
    %gather3A_244 = tpu.vector_load_idx %arg5[%add3A_241, %broadcast_in_dim3A_243] : memref<32x20xi32, #tpu.memory_space<vmem>>[vector<16xi32>, vector<16xi32>], vector<16xi32>,
    %add3A_245 = arith.constant 52 : i32
    %add3A_246 = vector.broadcast %add3A_245 : i32 to vector<16xi32>
    %add3A_247 = arith.addi %add3A_246, %shift_right_logical3A_4 : vector<16xi32>
    tpu.vector_store_idx %arg6[%add3A_247, %and3A_6], %gather3A_244 : memref<80x8xi32, #tpu.memory_space<vmem>>[vector<16xi32>, vector<16xi32>], vector<16xi32>,
    %add3A_248 = arith.constant 16 : i32
    %add3A_249 = vector.broadcast %add3A_248 : i32 to vector<16xi32>
    %add3A_250 = arith.addi %add3A_249, %iota3A : vector<16xi32>
    %broadcast_in_dim3A_251 = arith.constant 13 : i32
    %broadcast_in_dim3A_252 = vector.broadcast %broadcast_in_dim3A_251 : i32 to vector<16xi32>
    %gather3A_253 = tpu.vector_load_idx %arg5[%add3A_250, %broadcast_in_dim3A_252] : memref<32x20xi32, #tpu.memory_space<vmem>>[vector<16xi32>, vector<16xi32>], vector<16xi32>,
    %add3A_254 = arith.constant 54 : i32
    %add3A_255 = vector.broadcast %add3A_254 : i32 to vector<16xi32>
    %add3A_256 = arith.addi %add3A_255, %shift_right_logical3A_4 : vector<16xi32>
    tpu.vector_store_idx %arg6[%add3A_256, %and3A_6], %gather3A_253 : memref<80x8xi32, #tpu.memory_space<vmem>>[vector<16xi32>, vector<16xi32>], vector<16xi32>,
    %add3A_257 = arith.constant 0 : i32
    %add3A_258 = vector.broadcast %add3A_257 : i32 to vector<16xi32>
    %add3A_259 = arith.addi %add3A_258, %iota3A : vector<16xi32>
    %broadcast_in_dim3A_260 = arith.constant 14 : i32
    %broadcast_in_dim3A_261 = vector.broadcast %broadcast_in_dim3A_260 : i32 to vector<16xi32>
    %gather3A_262 = tpu.vector_load_idx %arg5[%add3A_259, %broadcast_in_dim3A_261] : memref<32x20xi32, #tpu.memory_space<vmem>>[vector<16xi32>, vector<16xi32>], vector<16xi32>,
    %add3A_263 = arith.constant 56 : i32
    %add3A_264 = vector.broadcast %add3A_263 : i32 to vector<16xi32>
    %add3A_265 = arith.addi %add3A_264, %shift_right_logical3A_4 : vector<16xi32>
    tpu.vector_store_idx %arg6[%add3A_265, %and3A_6], %gather3A_262 : memref<80x8xi32, #tpu.memory_space<vmem>>[vector<16xi32>, vector<16xi32>], vector<16xi32>,
    %add3A_266 = arith.constant 16 : i32
    %add3A_267 = vector.broadcast %add3A_266 : i32 to vector<16xi32>
    %add3A_268 = arith.addi %add3A_267, %iota3A : vector<16xi32>
    %broadcast_in_dim3A_269 = arith.constant 14 : i32
    %broadcast_in_dim3A_270 = vector.broadcast %broadcast_in_dim3A_269 : i32 to vector<16xi32>
    %gather3A_271 = tpu.vector_load_idx %arg5[%add3A_268, %broadcast_in_dim3A_270] : memref<32x20xi32, #tpu.memory_space<vmem>>[vector<16xi32>, vector<16xi32>], vector<16xi32>,
    %add3A_272 = arith.constant 58 : i32
    %add3A_273 = vector.broadcast %add3A_272 : i32 to vector<16xi32>
    %add3A_274 = arith.addi %add3A_273, %shift_right_logical3A_4 : vector<16xi32>
    tpu.vector_store_idx %arg6[%add3A_274, %and3A_6], %gather3A_271 : memref<80x8xi32, #tpu.memory_space<vmem>>[vector<16xi32>, vector<16xi32>], vector<16xi32>,
    %add3A_275 = arith.constant 0 : i32
    %add3A_276 = vector.broadcast %add3A_275 : i32 to vector<16xi32>
    %add3A_277 = arith.addi %add3A_276, %iota3A : vector<16xi32>
    %broadcast_in_dim3A_278 = arith.constant 15 : i32
    %broadcast_in_dim3A_279 = vector.broadcast %broadcast_in_dim3A_278 : i32 to vector<16xi32>
    %gather3A_280 = tpu.vector_load_idx %arg5[%add3A_277, %broadcast_in_dim3A_279] : memref<32x20xi32, #tpu.memory_space<vmem>>[vector<16xi32>, vector<16xi32>], vector<16xi32>,
    %add3A_281 = arith.constant 60 : i32
    %add3A_282 = vector.broadcast %add3A_281 : i32 to vector<16xi32>
    %add3A_283 = arith.addi %add3A_282, %shift_right_logical3A_4 : vector<16xi32>
    tpu.vector_store_idx %arg6[%add3A_283, %and3A_6], %gather3A_280 : memref<80x8xi32, #tpu.memory_space<vmem>>[vector<16xi32>, vector<16xi32>], vector<16xi32>,
    %add3A_284 = arith.constant 16 : i32
    %add3A_285 = vector.broadcast %add3A_284 : i32 to vector<16xi32>
    %add3A_286 = arith.addi %add3A_285, %iota3A : vector<16xi32>
    %broadcast_in_dim3A_287 = arith.constant 15 : i32
    %broadcast_in_dim3A_288 = vector.broadcast %broadcast_in_dim3A_287 : i32 to vector<16xi32>
    %gather3A_289 = tpu.vector_load_idx %arg5[%add3A_286, %broadcast_in_dim3A_288] : memref<32x20xi32, #tpu.memory_space<vmem>>[vector<16xi32>, vector<16xi32>], vector<16xi32>,
    %add3A_290 = arith.constant 62 : i32
    %add3A_291 = vector.broadcast %add3A_290 : i32 to vector<16xi32>
    %add3A_292 = arith.addi %add3A_291, %shift_right_logical3A_4 : vector<16xi32>
    tpu.vector_store_idx %arg6[%add3A_292, %and3A_6], %gather3A_289 : memref<80x8xi32, #tpu.memory_space<vmem>>[vector<16xi32>, vector<16xi32>], vector<16xi32>,
    %add3A_293 = arith.constant 0 : i32
    %add3A_294 = vector.broadcast %add3A_293 : i32 to vector<16xi32>
    %add3A_295 = arith.addi %add3A_294, %iota3A : vector<16xi32>
    %broadcast_in_dim3A_296 = arith.constant 16 : i32
    %broadcast_in_dim3A_297 = vector.broadcast %broadcast_in_dim3A_296 : i32 to vector<16xi32>
    %gather3A_298 = tpu.vector_load_idx %arg5[%add3A_295, %broadcast_in_dim3A_297] : memref<32x20xi32, #tpu.memory_space<vmem>>[vector<16xi32>, vector<16xi32>], vector<16xi32>,
    %add3A_299 = arith.constant 64 : i32
    %add3A_300 = vector.broadcast %add3A_299 : i32 to vector<16xi32>
    %add3A_301 = arith.addi %add3A_300, %shift_right_logical3A_4 : vector<16xi32>
    tpu.vector_store_idx %arg6[%add3A_301, %and3A_6], %gather3A_298 : memref<80x8xi32, #tpu.memory_space<vmem>>[vector<16xi32>, vector<16xi32>], vector<16xi32>,
    %add3A_302 = arith.constant 16 : i32
    %add3A_303 = vector.broadcast %add3A_302 : i32 to vector<16xi32>
    %add3A_304 = arith.addi %add3A_303, %iota3A : vector<16xi32>
    %broadcast_in_dim3A_305 = arith.constant 16 : i32
    %broadcast_in_dim3A_306 = vector.broadcast %broadcast_in_dim3A_305 : i32 to vector<16xi32>
    %gather3A_307 = tpu.vector_load_idx %arg5[%add3A_304, %broadcast_in_dim3A_306] : memref<32x20xi32, #tpu.memory_space<vmem>>[vector<16xi32>, vector<16xi32>], vector<16xi32>,
    %add3A_308 = arith.constant 66 : i32
    %add3A_309 = vector.broadcast %add3A_308 : i32 to vector<16xi32>
    %add3A_310 = arith.addi %add3A_309, %shift_right_logical3A_4 : vector<16xi32>
    tpu.vector_store_idx %arg6[%add3A_310, %and3A_6], %gather3A_307 : memref<80x8xi32, #tpu.memory_space<vmem>>[vector<16xi32>, vector<16xi32>], vector<16xi32>,
    %add3A_311 = arith.constant 0 : i32
    %add3A_312 = vector.broadcast %add3A_311 : i32 to vector<16xi32>
    %add3A_313 = arith.addi %add3A_312, %iota3A : vector<16xi32>
    %broadcast_in_dim3A_314 = arith.constant 17 : i32
    %broadcast_in_dim3A_315 = vector.broadcast %broadcast_in_dim3A_314 : i32 to vector<16xi32>
    %gather3A_316 = tpu.vector_load_idx %arg5[%add3A_313, %broadcast_in_dim3A_315] : memref<32x20xi32, #tpu.memory_space<vmem>>[vector<16xi32>, vector<16xi32>], vector<16xi32>,
    %add3A_317 = arith.constant 68 : i32
    %add3A_318 = vector.broadcast %add3A_317 : i32 to vector<16xi32>
    %add3A_319 = arith.addi %add3A_318, %shift_right_logical3A_4 : vector<16xi32>
    tpu.vector_store_idx %arg6[%add3A_319, %and3A_6], %gather3A_316 : memref<80x8xi32, #tpu.memory_space<vmem>>[vector<16xi32>, vector<16xi32>], vector<16xi32>,
    %add3A_320 = arith.constant 16 : i32
    %add3A_321 = vector.broadcast %add3A_320 : i32 to vector<16xi32>
    %add3A_322 = arith.addi %add3A_321, %iota3A : vector<16xi32>
    %broadcast_in_dim3A_323 = arith.constant 17 : i32
    %broadcast_in_dim3A_324 = vector.broadcast %broadcast_in_dim3A_323 : i32 to vector<16xi32>
    %gather3A_325 = tpu.vector_load_idx %arg5[%add3A_322, %broadcast_in_dim3A_324] : memref<32x20xi32, #tpu.memory_space<vmem>>[vector<16xi32>, vector<16xi32>], vector<16xi32>,
    %add3A_326 = arith.constant 70 : i32
    %add3A_327 = vector.broadcast %add3A_326 : i32 to vector<16xi32>
    %add3A_328 = arith.addi %add3A_327, %shift_right_logical3A_4 : vector<16xi32>
    tpu.vector_store_idx %arg6[%add3A_328, %and3A_6], %gather3A_325 : memref<80x8xi32, #tpu.memory_space<vmem>>[vector<16xi32>, vector<16xi32>], vector<16xi32>,
    %add3A_329 = arith.constant 0 : i32
    %add3A_330 = vector.broadcast %add3A_329 : i32 to vector<16xi32>
    %add3A_331 = arith.addi %add3A_330, %iota3A : vector<16xi32>
    %broadcast_in_dim3A_332 = arith.constant 18 : i32
    %broadcast_in_dim3A_333 = vector.broadcast %broadcast_in_dim3A_332 : i32 to vector<16xi32>
    %gather3A_334 = tpu.vector_load_idx %arg5[%add3A_331, %broadcast_in_dim3A_333] : memref<32x20xi32, #tpu.memory_space<vmem>>[vector<16xi32>, vector<16xi32>], vector<16xi32>,
    %add3A_335 = arith.constant 72 : i32
    %add3A_336 = vector.broadcast %add3A_335 : i32 to vector<16xi32>
    %add3A_337 = arith.addi %add3A_336, %shift_right_logical3A_4 : vector<16xi32>
    tpu.vector_store_idx %arg6[%add3A_337, %and3A_6], %gather3A_334 : memref<80x8xi32, #tpu.memory_space<vmem>>[vector<16xi32>, vector<16xi32>], vector<16xi32>,
    %add3A_338 = arith.constant 16 : i32
    %add3A_339 = vector.broadcast %add3A_338 : i32 to vector<16xi32>
    %add3A_340 = arith.addi %add3A_339, %iota3A : vector<16xi32>
    %broadcast_in_dim3A_341 = arith.constant 18 : i32
    %broadcast_in_dim3A_342 = vector.broadcast %broadcast_in_dim3A_341 : i32 to vector<16xi32>
    %gather3A_343 = tpu.vector_load_idx %arg5[%add3A_340, %broadcast_in_dim3A_342] : memref<32x20xi32, #tpu.memory_space<vmem>>[vector<16xi32>, vector<16xi32>], vector<16xi32>,
    %add3A_344 = arith.constant 74 : i32
    %add3A_345 = vector.broadcast %add3A_344 : i32 to vector<16xi32>
    %add3A_346 = arith.addi %add3A_345, %shift_right_logical3A_4 : vector<16xi32>
    tpu.vector_store_idx %arg6[%add3A_346, %and3A_6], %gather3A_343 : memref<80x8xi32, #tpu.memory_space<vmem>>[vector<16xi32>, vector<16xi32>], vector<16xi32>,
    %add3A_347 = arith.constant 0 : i32
    %add3A_348 = vector.broadcast %add3A_347 : i32 to vector<16xi32>
    %add3A_349 = arith.addi %add3A_348, %iota3A : vector<16xi32>
    %broadcast_in_dim3A_350 = arith.constant 19 : i32
    %broadcast_in_dim3A_351 = vector.broadcast %broadcast_in_dim3A_350 : i32 to vector<16xi32>
    %gather3A_352 = tpu.vector_load_idx %arg5[%add3A_349, %broadcast_in_dim3A_351] : memref<32x20xi32, #tpu.memory_space<vmem>>[vector<16xi32>, vector<16xi32>], vector<16xi32>,
    %add3A_353 = arith.constant 76 : i32
    %add3A_354 = vector.broadcast %add3A_353 : i32 to vector<16xi32>
    %add3A_355 = arith.addi %add3A_354, %shift_right_logical3A_4 : vector<16xi32>
    tpu.vector_store_idx %arg6[%add3A_355, %and3A_6], %gather3A_352 : memref<80x8xi32, #tpu.memory_space<vmem>>[vector<16xi32>, vector<16xi32>], vector<16xi32>,
    %add3A_356 = arith.constant 16 : i32
    %add3A_357 = vector.broadcast %add3A_356 : i32 to vector<16xi32>
    %add3A_358 = arith.addi %add3A_357, %iota3A : vector<16xi32>
    %broadcast_in_dim3A_359 = arith.constant 19 : i32
    %broadcast_in_dim3A_360 = vector.broadcast %broadcast_in_dim3A_359 : i32 to vector<16xi32>
    %gather3A_361 = tpu.vector_load_idx %arg5[%add3A_358, %broadcast_in_dim3A_360] : memref<32x20xi32, #tpu.memory_space<vmem>>[vector<16xi32>, vector<16xi32>], vector<16xi32>,
    %add3A_362 = arith.constant 78 : i32
    %add3A_363 = vector.broadcast %add3A_362 : i32 to vector<16xi32>
    %add3A_364 = arith.addi %add3A_363, %shift_right_logical3A_4 : vector<16xi32>
    tpu.vector_store_idx %arg6[%add3A_364, %and3A_6], %gather3A_361 : memref<80x8xi32, #tpu.memory_space<vmem>>[vector<16xi32>, vector<16xi32>], vector<16xi32>,
    %dma_start3A = arith.constant 0 : i32
    %dma_start3A_365 = arith.constant 0 : i32
    %dma_start3A_366 = tpu.memref_slice %arg6[%dma_start3A, %dma_start3A_365] : memref<80x8xi32, #tpu.memory_space<vmem>> -> memref<1x8xi32, #tpu.memory_space<vmem>>
    %dma_start3A_367 = tpu.memref_squeeze %dma_start3A_366 : memref<1x8xi32, #tpu.memory_space<vmem>> -> memref<8xi32, #tpu.memory_space<vmem>>
    %dma_start3A_368 = arith.constant 0 : i32
    %dma_start3A_369 = arith.constant 0 : i32
    %dma_start3A_370 = tpu.memref_slice %arg2[%dma_start3A_368, %dma_start3A_369] : memref<30000x4096xf32, #tpu.memory_space<hbm>> -> memref<30000x4096xf32, #tpu.memory_space<hbm>>
    tpu.enqueue_indirect_dma source(%dma_start3A_370 : memref<30000x4096xf32, #tpu.memory_space<hbm>>) target(%arg7 : memref<8x4096xf32, #tpu.memory_space<vmem>>) offsets(%dma_start3A_367 : memref<8xi32, #tpu.memory_space<vmem>>) semaphore(%arg10 : memref<!tpu.dma_semaphore, #tpu.memory_space<semaphore_mem>>)
    %dma_start3A_371 = arith.constant 1 : i32
    %dma_start3A_372 = arith.constant 0 : i32
    %dma_start3A_373 = tpu.memref_slice %arg6[%dma_start3A_371, %dma_start3A_372] : memref<80x8xi32, #tpu.memory_space<vmem>> -> memref<1x8xi32, #tpu.memory_space<vmem>>
    %dma_start3A_374 = tpu.memref_squeeze %dma_start3A_373 : memref<1x8xi32, #tpu.memory_space<vmem>> -> memref<8xi32, #tpu.memory_space<vmem>>
    %dma_start3A_375 = arith.constant 0 : i32
    %dma_start3A_376 = arith.constant 0 : i32
    %dma_start3A_377 = tpu.memref_slice %arg2[%dma_start3A_375, %dma_start3A_376] : memref<30000x4096xf32, #tpu.memory_space<hbm>> -> memref<30000x4096xf32, #tpu.memory_space<hbm>>
    tpu.enqueue_indirect_dma source(%dma_start3A_377 : memref<30000x4096xf32, #tpu.memory_space<hbm>>) target(%arg8 : memref<8x4096xf32, #tpu.memory_space<vmem>>) offsets(%dma_start3A_374 : memref<8xi32, #tpu.memory_space<vmem>>) semaphore(%arg11 : memref<!tpu.dma_semaphore, #tpu.memory_space<semaphore_mem>>)
    %scan3A = arith.constant 0 : i32
    %scan3A_378 = arith.constant 26 : i32
    %scan3A_379 = arith.addi %scan3A, %scan3A_378 : i32
    %scan3A_380 = arith.constant 1 : i32
    scf.for %scan3A_425 = %scan3A to %scan3A_379 step %scan3A_380  : i32 {
      %mul3A_426 = arith.constant 3 : i32
      %mul3A_427 = arith.muli %scan3A_425, %mul3A_426 : i32
      %add3A_428 = arith.constant 0 : i32
      %add3A_429 = arith.addi %add3A_428, %mul3A_427 : i32
      %add3A_430 = arith.constant 0 : i32
      %add3A_431 = arith.addi %add3A_429, %add3A_430 : i32
      %dma_wait3A_432 = arith.constant 0 : i32
      %dma_wait3A_433 = tpu.memref_slice %arg6[%add3A_431, %dma_wait3A_432] : memref<80x8xi32, #tpu.memory_space<vmem>> -> memref<1x8xi32, #tpu.memory_space<vmem>>
      %dma_wait3A_434 = tpu.memref_squeeze %dma_wait3A_433 : memref<1x8xi32, #tpu.memory_space<vmem>> -> memref<8xi32, #tpu.memory_space<vmem>>
      %dma_wait3A_435 = arith.constant 0 : i32
      %dma_wait3A_436 = arith.constant 0 : i32
      %dma_wait3A_437 = tpu.memref_slice %arg2[%dma_wait3A_435, %dma_wait3A_436] : memref<30000x4096xf32, #tpu.memory_space<hbm>> -> memref<30000x4096xf32, #tpu.memory_space<hbm>>
      tpu.wait_indirect_dma semaphore(%arg10 : memref<!tpu.dma_semaphore, #tpu.memory_space<semaphore_mem>>) src(%dma_wait3A_437 : memref<30000x4096xf32, #tpu.memory_space<hbm>>) dst(%arg7 : memref<8x4096xf32, #tpu.memory_space<vmem>>)
      %jit3A = arith.constant 4 : i32
      %eq3A = arith.constant 0 : i32
      %eq3A_438 = arith.cmpi eq, %jit3A, %eq3A : i32
      %jit3A_439 = arith.constant 1 : i32
      %select_n3A = arith.select %eq3A_438, %jit3A_439, %jit3A : i32
      %rem3A = arith.remsi %add3A_431, %select_n3A : i32
      %ne3A = arith.constant 0 : i32
      %ne3A_440 = arith.cmpi ne, %rem3A, %ne3A : i32
      %lt3A = arith.constant 0 : i32
      %lt3A_441 = arith.cmpi slt, %rem3A, %lt3A : i32
      %lt3A_442 = arith.constant 0 : i32
      %lt3A_443 = arith.cmpi slt, %select_n3A, %lt3A_442 : i32
      %ne3A_444 = arith.xori %lt3A_441, %lt3A_443 : i1
      %and3A_445 = arith.andi %ne3A_444, %ne3A_440 : i1
      %add3A_446 = arith.addi %rem3A, %select_n3A : i32
      %select_n3A_447 = arith.select %and3A_445, %add3A_446, %rem3A : i32
      %mul3A_448 = arith.constant 8 : i32
      %mul3A_449 = arith.muli %select_n3A_447, %mul3A_448 : i32
      %add3A_450 = arith.addi %mul3A_2, %mul3A_449 : i32
      %jit3A_451 = arith.constant 4 : i32
      %div3A = arith.divsi %add3A_431, %jit3A_451 : i32
      %sign3A = arith.constant 0 : i32
      %sign3A_452 = arith.cmpi sgt, %add3A_431, %sign3A : i32
      %sign3A_453 = arith.extui %sign3A_452 : i1 to i32
      %sign3A_454 = arith.constant 0 : i32
      %sign3A_455 = arith.cmpi slt, %add3A_431, %sign3A_454 : i32
      %sign3A_456 = arith.extui %sign3A_455 : i1 to i32
      %sign3A_457 = arith.subi %sign3A_453, %sign3A_456 : i32
      %sign3A_458 = arith.constant 0 : i32
      %sign3A_459 = arith.cmpi sgt, %jit3A_451, %sign3A_458 : i32
      %sign3A_460 = arith.extui %sign3A_459 : i1 to i32
      %sign3A_461 = arith.constant 0 : i32
      %sign3A_462 = arith.cmpi slt, %jit3A_451, %sign3A_461 : i32
      %sign3A_463 = arith.extui %sign3A_462 : i1 to i32
      %sign3A_464 = arith.subi %sign3A_460, %sign3A_463 : i32
      %ne3A_465 = arith.cmpi ne, %sign3A_457, %sign3A_464 : i32
      %rem3A_466 = arith.remsi %add3A_431, %jit3A_451 : i32
      %ne3A_467 = arith.constant 0 : i32
      %ne3A_468 = arith.cmpi ne, %rem3A_466, %ne3A_467 : i32
      %and3A_469 = arith.andi %ne3A_465, %ne3A_468 : i1
      %sub3A = arith.constant 1 : i32
      %sub3A_470 = arith.subi %div3A, %sub3A : i32
      %select_n3A_471 = arith.select %and3A_469, %sub3A_470, %div3A : i32
      %mul3A_472 = arith.constant 4096 : i32
      %mul3A_473 = arith.muli %select_n3A_471, %mul3A_472 : i32
      %dma_start3A_474 = tpu.memref_slice %arg4[%add3A_450, %mul3A_473] : memref<1024x81920xf32, #tpu.memory_space<hbm>> -> memref<8x4096xf32, #tpu.memory_space<hbm>>
      %dma_start3A_475 = tpu.memref_slice %arg4[%add3A_450, %mul3A_473] : memref<1024x81920xf32, #tpu.memory_space<hbm>> -> memref<8x4096xf32, #tpu.memory_space<hbm>>
      tpu.enqueue_dma source(%arg7 : memref<8x4096xf32, #tpu.memory_space<vmem>>) target(%dma_start3A_475 : memref<8x4096xf32, #tpu.memory_space<hbm>>) target_semaphore(%arg13 : memref<!tpu.dma_semaphore, #tpu.memory_space<semaphore_mem>>)
      %add3A_476 = arith.constant 2 : i32
      %add3A_477 = arith.addi %add3A_431, %add3A_476 : i32
      %lt3A_478 = arith.constant 80 : i32
      %lt3A_479 = arith.cmpi slt, %add3A_477, %lt3A_478 : i32
      %convert_element_type3A = arith.extui %lt3A_479 : i1 to i32
      %cond3A = arith.constant 0 : i32
      %cond3A_480 = arith.cmpi ne, %convert_element_type3A, %cond3A : i32
      scf.if %cond3A_480 {
        %ge3A = arith.constant 1 : i32
        %ge3A_605 = arith.cmpi sge, %add3A_431, %ge3A : i32
        %convert_element_type3A_606 = arith.extui %ge3A_605 : i1 to i32
        %cond3A_607 = arith.constant 0 : i32
        %cond3A_608 = arith.cmpi ne, %convert_element_type3A_606, %cond3A_607 : i32
        scf.if %cond3A_608 {
          %sub3A_617 = arith.constant 1 : i32
          %sub3A_618 = arith.subi %add3A_431, %sub3A_617 : i32
          %jit3A_619 = arith.constant 4 : i32
          %eq3A_620 = arith.constant 0 : i32
          %eq3A_621 = arith.cmpi eq, %jit3A_619, %eq3A_620 : i32
          %jit3A_622 = arith.constant 1 : i32
          %select_n3A_623 = arith.select %eq3A_621, %jit3A_622, %jit3A_619 : i32
          %rem3A_624 = arith.remsi %sub3A_618, %select_n3A_623 : i32
          %ne3A_625 = arith.constant 0 : i32
          %ne3A_626 = arith.cmpi ne, %rem3A_624, %ne3A_625 : i32
          %lt3A_627 = arith.constant 0 : i32
          %lt3A_628 = arith.cmpi slt, %rem3A_624, %lt3A_627 : i32
          %lt3A_629 = arith.constant 0 : i32
          %lt3A_630 = arith.cmpi slt, %select_n3A_623, %lt3A_629 : i32
          %ne3A_631 = arith.xori %lt3A_628, %lt3A_630 : i1
          %and3A_632 = arith.andi %ne3A_631, %ne3A_626 : i1
          %add3A_633 = arith.addi %rem3A_624, %select_n3A_623 : i32
          %select_n3A_634 = arith.select %and3A_632, %add3A_633, %rem3A_624 : i32
          %mul3A_635 = arith.constant 8 : i32
          %mul3A_636 = arith.muli %select_n3A_634, %mul3A_635 : i32
          %add3A_637 = arith.addi %mul3A_2, %mul3A_636 : i32
          %jit3A_638 = arith.constant 4 : i32
          %div3A_639 = arith.divsi %sub3A_618, %jit3A_638 : i32
          %sign3A_640 = arith.constant 0 : i32
          %sign3A_641 = arith.cmpi sgt, %sub3A_618, %sign3A_640 : i32
          %sign3A_642 = arith.extui %sign3A_641 : i1 to i32
          %sign3A_643 = arith.constant 0 : i32
          %sign3A_644 = arith.cmpi slt, %sub3A_618, %sign3A_643 : i32
          %sign3A_645 = arith.extui %sign3A_644 : i1 to i32
          %sign3A_646 = arith.subi %sign3A_642, %sign3A_645 : i32
          %sign3A_647 = arith.constant 0 : i32
          %sign3A_648 = arith.cmpi sgt, %jit3A_638, %sign3A_647 : i32
          %sign3A_649 = arith.extui %sign3A_648 : i1 to i32
          %sign3A_650 = arith.constant 0 : i32
          %sign3A_651 = arith.cmpi slt, %jit3A_638, %sign3A_650 : i32
          %sign3A_652 = arith.extui %sign3A_651 : i1 to i32
          %sign3A_653 = arith.subi %sign3A_649, %sign3A_652 : i32
          %ne3A_654 = arith.cmpi ne, %sign3A_646, %sign3A_653 : i32
          %rem3A_655 = arith.remsi %sub3A_618, %jit3A_638 : i32
          %ne3A_656 = arith.constant 0 : i32
          %ne3A_657 = arith.cmpi ne, %rem3A_655, %ne3A_656 : i32
          %and3A_658 = arith.andi %ne3A_654, %ne3A_657 : i1
          %sub3A_659 = arith.constant 1 : i32
          %sub3A_660 = arith.subi %div3A_639, %sub3A_659 : i32
          %select_n3A_661 = arith.select %and3A_658, %sub3A_660, %div3A_639 : i32
          %mul3A_662 = arith.constant 4096 : i32
          %mul3A_663 = arith.muli %select_n3A_661, %mul3A_662 : i32
          %dma_wait3A_664 = tpu.memref_slice %arg4[%add3A_637, %mul3A_663] : memref<1024x81920xf32, #tpu.memory_space<hbm>> -> memref<8x4096xf32, #tpu.memory_space<hbm>>
          %dma_wait3A_665 = tpu.memref_slice %arg4[%add3A_637, %mul3A_663] : memref<1024x81920xf32, #tpu.memory_space<hbm>> -> memref<8x4096xf32, #tpu.memory_space<hbm>>
          tpu.wait_dma2 semaphore(%arg15 : memref<!tpu.dma_semaphore, #tpu.memory_space<semaphore_mem>>) src(%arg9 : memref<8x4096xf32, #tpu.memory_space<vmem>>) dst(%dma_wait3A_665 : memref<8x4096xf32, #tpu.memory_space<hbm>>)
        } else {
        }
        %add3A_609 = arith.constant 2 : i32
        %add3A_610 = arith.addi %add3A_431, %add3A_609 : i32
        %dma_start3A_611 = arith.constant 0 : i32
        %dma_start3A_612 = tpu.memref_slice %arg6[%add3A_610, %dma_start3A_611] : memref<80x8xi32, #tpu.memory_space<vmem>> -> memref<1x8xi32, #tpu.memory_space<vmem>>
        %dma_start3A_613 = tpu.memref_squeeze %dma_start3A_612 : memref<1x8xi32, #tpu.memory_space<vmem>> -> memref<8xi32, #tpu.memory_space<vmem>>
        %dma_start3A_614 = arith.constant 0 : i32
        %dma_start3A_615 = arith.constant 0 : i32
        %dma_start3A_616 = tpu.memref_slice %arg2[%dma_start3A_614, %dma_start3A_615] : memref<30000x4096xf32, #tpu.memory_space<hbm>> -> memref<30000x4096xf32, #tpu.memory_space<hbm>>
        tpu.enqueue_indirect_dma source(%dma_start3A_616 : memref<30000x4096xf32, #tpu.memory_space<hbm>>) target(%arg9 : memref<8x4096xf32, #tpu.memory_space<vmem>>) offsets(%dma_start3A_613 : memref<8xi32, #tpu.memory_space<vmem>>) semaphore(%arg12 : memref<!tpu.dma_semaphore, #tpu.memory_space<semaphore_mem>>)
      } else {
      }
      %add3A_481 = arith.constant 1 : i32
      %add3A_482 = arith.addi %add3A_429, %add3A_481 : i32
      %dma_wait3A_483 = arith.constant 0 : i32
      %dma_wait3A_484 = tpu.memref_slice %arg6[%add3A_482, %dma_wait3A_483] : memref<80x8xi32, #tpu.memory_space<vmem>> -> memref<1x8xi32, #tpu.memory_space<vmem>>
      %dma_wait3A_485 = tpu.memref_squeeze %dma_wait3A_484 : memref<1x8xi32, #tpu.memory_space<vmem>> -> memref<8xi32, #tpu.memory_space<vmem>>
      %dma_wait3A_486 = arith.constant 0 : i32
      %dma_wait3A_487 = arith.constant 0 : i32
      %dma_wait3A_488 = tpu.memref_slice %arg2[%dma_wait3A_486, %dma_wait3A_487] : memref<30000x4096xf32, #tpu.memory_space<hbm>> -> memref<30000x4096xf32, #tpu.memory_space<hbm>>
      tpu.wait_indirect_dma semaphore(%arg11 : memref<!tpu.dma_semaphore, #tpu.memory_space<semaphore_mem>>) src(%dma_wait3A_488 : memref<30000x4096xf32, #tpu.memory_space<hbm>>) dst(%arg8 : memref<8x4096xf32, #tpu.memory_space<vmem>>)
      %jit3A_489 = arith.constant 4 : i32
      %eq3A_490 = arith.constant 0 : i32
      %eq3A_491 = arith.cmpi eq, %jit3A_489, %eq3A_490 : i32
      %jit3A_492 = arith.constant 1 : i32
      %select_n3A_493 = arith.select %eq3A_491, %jit3A_492, %jit3A_489 : i32
      %rem3A_494 = arith.remsi %add3A_482, %select_n3A_493 : i32
      %ne3A_495 = arith.constant 0 : i32
      %ne3A_496 = arith.cmpi ne, %rem3A_494, %ne3A_495 : i32
      %lt3A_497 = arith.constant 0 : i32
      %lt3A_498 = arith.cmpi slt, %rem3A_494, %lt3A_497 : i32
      %lt3A_499 = arith.constant 0 : i32
      %lt3A_500 = arith.cmpi slt, %select_n3A_493, %lt3A_499 : i32
      %ne3A_501 = arith.xori %lt3A_498, %lt3A_500 : i1
      %and3A_502 = arith.andi %ne3A_501, %ne3A_496 : i1
      %add3A_503 = arith.addi %rem3A_494, %select_n3A_493 : i32
      %select_n3A_504 = arith.select %and3A_502, %add3A_503, %rem3A_494 : i32
      %mul3A_505 = arith.constant 8 : i32
      %mul3A_506 = arith.muli %select_n3A_504, %mul3A_505 : i32
      %add3A_507 = arith.addi %mul3A_2, %mul3A_506 : i32
      %jit3A_508 = arith.constant 4 : i32
      %div3A_509 = arith.divsi %add3A_482, %jit3A_508 : i32
      %sign3A_510 = arith.constant 0 : i32
      %sign3A_511 = arith.cmpi sgt, %add3A_482, %sign3A_510 : i32
      %sign3A_512 = arith.extui %sign3A_511 : i1 to i32
      %sign3A_513 = arith.constant 0 : i32
      %sign3A_514 = arith.cmpi slt, %add3A_482, %sign3A_513 : i32
      %sign3A_515 = arith.extui %sign3A_514 : i1 to i32
      %sign3A_516 = arith.subi %sign3A_512, %sign3A_515 : i32
      %sign3A_517 = arith.constant 0 : i32
      %sign3A_518 = arith.cmpi sgt, %jit3A_508, %sign3A_517 : i32
      %sign3A_519 = arith.extui %sign3A_518 : i1 to i32
      %sign3A_520 = arith.constant 0 : i32
      %sign3A_521 = arith.cmpi slt, %jit3A_508, %sign3A_520 : i32
      %sign3A_522 = arith.extui %sign3A_521 : i1 to i32
      %sign3A_523 = arith.subi %sign3A_519, %sign3A_522 : i32
      %ne3A_524 = arith.cmpi ne, %sign3A_516, %sign3A_523 : i32
      %rem3A_525 = arith.remsi %add3A_482, %jit3A_508 : i32
      %ne3A_526 = arith.constant 0 : i32
      %ne3A_527 = arith.cmpi ne, %rem3A_525, %ne3A_526 : i32
      %and3A_528 = arith.andi %ne3A_524, %ne3A_527 : i1
      %sub3A_529 = arith.constant 1 : i32
      %sub3A_530 = arith.subi %div3A_509, %sub3A_529 : i32
      %select_n3A_531 = arith.select %and3A_528, %sub3A_530, %div3A_509 : i32
      %mul3A_532 = arith.constant 4096 : i32
      %mul3A_533 = arith.muli %select_n3A_531, %mul3A_532 : i32
      %dma_start3A_534 = tpu.memref_slice %arg4[%add3A_507, %mul3A_533] : memref<1024x81920xf32, #tpu.memory_space<hbm>> -> memref<8x4096xf32, #tpu.memory_space<hbm>>
      %dma_start3A_535 = tpu.memref_slice %arg4[%add3A_507, %mul3A_533] : memref<1024x81920xf32, #tpu.memory_space<hbm>> -> memref<8x4096xf32, #tpu.memory_space<hbm>>
      tpu.enqueue_dma source(%arg8 : memref<8x4096xf32, #tpu.memory_space<vmem>>) target(%dma_start3A_535 : memref<8x4096xf32, #tpu.memory_space<hbm>>) target_semaphore(%arg14 : memref<!tpu.dma_semaphore, #tpu.memory_space<semaphore_mem>>)
      %add3A_536 = arith.constant 2 : i32
      %add3A_537 = arith.addi %add3A_482, %add3A_536 : i32
      %lt3A_538 = arith.constant 80 : i32
      %lt3A_539 = arith.cmpi slt, %add3A_537, %lt3A_538 : i32
      %convert_element_type3A_540 = arith.extui %lt3A_539 : i1 to i32
      %cond3A_541 = arith.constant 0 : i32
      %cond3A_542 = arith.cmpi ne, %convert_element_type3A_540, %cond3A_541 : i32
      scf.if %cond3A_542 {
        %ge3A = arith.constant 1 : i32
        %ge3A_605 = arith.cmpi sge, %add3A_482, %ge3A : i32
        %convert_element_type3A_606 = arith.extui %ge3A_605 : i1 to i32
        %cond3A_607 = arith.constant 0 : i32
        %cond3A_608 = arith.cmpi ne, %convert_element_type3A_606, %cond3A_607 : i32
        scf.if %cond3A_608 {
          %sub3A_617 = arith.constant 1 : i32
          %sub3A_618 = arith.subi %add3A_482, %sub3A_617 : i32
          %jit3A_619 = arith.constant 4 : i32
          %eq3A_620 = arith.constant 0 : i32
          %eq3A_621 = arith.cmpi eq, %jit3A_619, %eq3A_620 : i32
          %jit3A_622 = arith.constant 1 : i32
          %select_n3A_623 = arith.select %eq3A_621, %jit3A_622, %jit3A_619 : i32
          %rem3A_624 = arith.remsi %sub3A_618, %select_n3A_623 : i32
          %ne3A_625 = arith.constant 0 : i32
          %ne3A_626 = arith.cmpi ne, %rem3A_624, %ne3A_625 : i32
          %lt3A_627 = arith.constant 0 : i32
          %lt3A_628 = arith.cmpi slt, %rem3A_624, %lt3A_627 : i32
          %lt3A_629 = arith.constant 0 : i32
          %lt3A_630 = arith.cmpi slt, %select_n3A_623, %lt3A_629 : i32
          %ne3A_631 = arith.xori %lt3A_628, %lt3A_630 : i1
          %and3A_632 = arith.andi %ne3A_631, %ne3A_626 : i1
          %add3A_633 = arith.addi %rem3A_624, %select_n3A_623 : i32
          %select_n3A_634 = arith.select %and3A_632, %add3A_633, %rem3A_624 : i32
          %mul3A_635 = arith.constant 8 : i32
          %mul3A_636 = arith.muli %select_n3A_634, %mul3A_635 : i32
          %add3A_637 = arith.addi %mul3A_2, %mul3A_636 : i32
          %jit3A_638 = arith.constant 4 : i32
          %div3A_639 = arith.divsi %sub3A_618, %jit3A_638 : i32
          %sign3A_640 = arith.constant 0 : i32
          %sign3A_641 = arith.cmpi sgt, %sub3A_618, %sign3A_640 : i32
          %sign3A_642 = arith.extui %sign3A_641 : i1 to i32
          %sign3A_643 = arith.constant 0 : i32
          %sign3A_644 = arith.cmpi slt, %sub3A_618, %sign3A_643 : i32
          %sign3A_645 = arith.extui %sign3A_644 : i1 to i32
          %sign3A_646 = arith.subi %sign3A_642, %sign3A_645 : i32
          %sign3A_647 = arith.constant 0 : i32
          %sign3A_648 = arith.cmpi sgt, %jit3A_638, %sign3A_647 : i32
          %sign3A_649 = arith.extui %sign3A_648 : i1 to i32
          %sign3A_650 = arith.constant 0 : i32
          %sign3A_651 = arith.cmpi slt, %jit3A_638, %sign3A_650 : i32
          %sign3A_652 = arith.extui %sign3A_651 : i1 to i32
          %sign3A_653 = arith.subi %sign3A_649, %sign3A_652 : i32
          %ne3A_654 = arith.cmpi ne, %sign3A_646, %sign3A_653 : i32
          %rem3A_655 = arith.remsi %sub3A_618, %jit3A_638 : i32
          %ne3A_656 = arith.constant 0 : i32
          %ne3A_657 = arith.cmpi ne, %rem3A_655, %ne3A_656 : i32
          %and3A_658 = arith.andi %ne3A_654, %ne3A_657 : i1
          %sub3A_659 = arith.constant 1 : i32
          %sub3A_660 = arith.subi %div3A_639, %sub3A_659 : i32
          %select_n3A_661 = arith.select %and3A_658, %sub3A_660, %div3A_639 : i32
          %mul3A_662 = arith.constant 4096 : i32
          %mul3A_663 = arith.muli %select_n3A_661, %mul3A_662 : i32
          %dma_wait3A_664 = tpu.memref_slice %arg4[%add3A_637, %mul3A_663] : memref<1024x81920xf32, #tpu.memory_space<hbm>> -> memref<8x4096xf32, #tpu.memory_space<hbm>>
          %dma_wait3A_665 = tpu.memref_slice %arg4[%add3A_637, %mul3A_663] : memref<1024x81920xf32, #tpu.memory_space<hbm>> -> memref<8x4096xf32, #tpu.memory_space<hbm>>
          tpu.wait_dma2 semaphore(%arg13 : memref<!tpu.dma_semaphore, #tpu.memory_space<semaphore_mem>>) src(%arg7 : memref<8x4096xf32, #tpu.memory_space<vmem>>) dst(%dma_wait3A_665 : memref<8x4096xf32, #tpu.memory_space<hbm>>)
        } else {
        }
        %add3A_609 = arith.constant 2 : i32
        %add3A_610 = arith.addi %add3A_482, %add3A_609 : i32
        %dma_start3A_611 = arith.constant 0 : i32
        %dma_start3A_612 = tpu.memref_slice %arg6[%add3A_610, %dma_start3A_611] : memref<80x8xi32, #tpu.memory_space<vmem>> -> memref<1x8xi32, #tpu.memory_space<vmem>>
        %dma_start3A_613 = tpu.memref_squeeze %dma_start3A_612 : memref<1x8xi32, #tpu.memory_space<vmem>> -> memref<8xi32, #tpu.memory_space<vmem>>
        %dma_start3A_614 = arith.constant 0 : i32
        %dma_start3A_615 = arith.constant 0 : i32
        %dma_start3A_616 = tpu.memref_slice %arg2[%dma_start3A_614, %dma_start3A_615] : memref<30000x4096xf32, #tpu.memory_space<hbm>> -> memref<30000x4096xf32, #tpu.memory_space<hbm>>
        tpu.enqueue_indirect_dma source(%dma_start3A_616 : memref<30000x4096xf32, #tpu.memory_space<hbm>>) target(%arg7 : memref<8x4096xf32, #tpu.memory_space<vmem>>) offsets(%dma_start3A_613 : memref<8xi32, #tpu.memory_space<vmem>>) semaphore(%arg10 : memref<!tpu.dma_semaphore, #tpu.memory_space<semaphore_mem>>)
      } else {
      }
      %add3A_543 = arith.constant 2 : i32
      %add3A_544 = arith.addi %add3A_429, %add3A_543 : i32
      %dma_wait3A_545 = arith.constant 0 : i32
      %dma_wait3A_546 = tpu.memref_slice %arg6[%add3A_544, %dma_wait3A_545] : memref<80x8xi32, #tpu.memory_space<vmem>> -> memref<1x8xi32, #tpu.memory_space<vmem>>
      %dma_wait3A_547 = tpu.memref_squeeze %dma_wait3A_546 : memref<1x8xi32, #tpu.memory_space<vmem>> -> memref<8xi32, #tpu.memory_space<vmem>>
      %dma_wait3A_548 = arith.constant 0 : i32
      %dma_wait3A_549 = arith.constant 0 : i32
      %dma_wait3A_550 = tpu.memref_slice %arg2[%dma_wait3A_548, %dma_wait3A_549] : memref<30000x4096xf32, #tpu.memory_space<hbm>> -> memref<30000x4096xf32, #tpu.memory_space<hbm>>
      tpu.wait_indirect_dma semaphore(%arg12 : memref<!tpu.dma_semaphore, #tpu.memory_space<semaphore_mem>>) src(%dma_wait3A_550 : memref<30000x4096xf32, #tpu.memory_space<hbm>>) dst(%arg9 : memref<8x4096xf32, #tpu.memory_space<vmem>>)
      %jit3A_551 = arith.constant 4 : i32
      %eq3A_552 = arith.constant 0 : i32
      %eq3A_553 = arith.cmpi eq, %jit3A_551, %eq3A_552 : i32
      %jit3A_554 = arith.constant 1 : i32
      %select_n3A_555 = arith.select %eq3A_553, %jit3A_554, %jit3A_551 : i32
      %rem3A_556 = arith.remsi %add3A_544, %select_n3A_555 : i32
      %ne3A_557 = arith.constant 0 : i32
      %ne3A_558 = arith.cmpi ne, %rem3A_556, %ne3A_557 : i32
      %lt3A_559 = arith.constant 0 : i32
      %lt3A_560 = arith.cmpi slt, %rem3A_556, %lt3A_559 : i32
      %lt3A_561 = arith.constant 0 : i32
      %lt3A_562 = arith.cmpi slt, %select_n3A_555, %lt3A_561 : i32
      %ne3A_563 = arith.xori %lt3A_560, %lt3A_562 : i1
      %and3A_564 = arith.andi %ne3A_563, %ne3A_558 : i1
      %add3A_565 = arith.addi %rem3A_556, %select_n3A_555 : i32
      %select_n3A_566 = arith.select %and3A_564, %add3A_565, %rem3A_556 : i32
      %mul3A_567 = arith.constant 8 : i32
      %mul3A_568 = arith.muli %select_n3A_566, %mul3A_567 : i32
      %add3A_569 = arith.addi %mul3A_2, %mul3A_568 : i32
      %jit3A_570 = arith.constant 4 : i32
      %div3A_571 = arith.divsi %add3A_544, %jit3A_570 : i32
      %sign3A_572 = arith.constant 0 : i32
      %sign3A_573 = arith.cmpi sgt, %add3A_544, %sign3A_572 : i32
      %sign3A_574 = arith.extui %sign3A_573 : i1 to i32
      %sign3A_575 = arith.constant 0 : i32
      %sign3A_576 = arith.cmpi slt, %add3A_544, %sign3A_575 : i32
      %sign3A_577 = arith.extui %sign3A_576 : i1 to i32
      %sign3A_578 = arith.subi %sign3A_574, %sign3A_577 : i32
      %sign3A_579 = arith.constant 0 : i32
      %sign3A_580 = arith.cmpi sgt, %jit3A_570, %sign3A_579 : i32
      %sign3A_581 = arith.extui %sign3A_580 : i1 to i32
      %sign3A_582 = arith.constant 0 : i32
      %sign3A_583 = arith.cmpi slt, %jit3A_570, %sign3A_582 : i32
      %sign3A_584 = arith.extui %sign3A_583 : i1 to i32
      %sign3A_585 = arith.subi %sign3A_581, %sign3A_584 : i32
      %ne3A_586 = arith.cmpi ne, %sign3A_578, %sign3A_585 : i32
      %rem3A_587 = arith.remsi %add3A_544, %jit3A_570 : i32
      %ne3A_588 = arith.constant 0 : i32
      %ne3A_589 = arith.cmpi ne, %rem3A_587, %ne3A_588 : i32
      %and3A_590 = arith.andi %ne3A_586, %ne3A_589 : i1
      %sub3A_591 = arith.constant 1 : i32
      %sub3A_592 = arith.subi %div3A_571, %sub3A_591 : i32
      %select_n3A_593 = arith.select %and3A_590, %sub3A_592, %div3A_571 : i32
      %mul3A_594 = arith.constant 4096 : i32
      %mul3A_595 = arith.muli %select_n3A_593, %mul3A_594 : i32
      %dma_start3A_596 = tpu.memref_slice %arg4[%add3A_569, %mul3A_595] : memref<1024x81920xf32, #tpu.memory_space<hbm>> -> memref<8x4096xf32, #tpu.memory_space<hbm>>
      %dma_start3A_597 = tpu.memref_slice %arg4[%add3A_569, %mul3A_595] : memref<1024x81920xf32, #tpu.memory_space<hbm>> -> memref<8x4096xf32, #tpu.memory_space<hbm>>
      tpu.enqueue_dma source(%arg9 : memref<8x4096xf32, #tpu.memory_space<vmem>>) target(%dma_start3A_597 : memref<8x4096xf32, #tpu.memory_space<hbm>>) target_semaphore(%arg15 : memref<!tpu.dma_semaphore, #tpu.memory_space<semaphore_mem>>)
      %add3A_598 = arith.constant 2 : i32
      %add3A_599 = arith.addi %add3A_544, %add3A_598 : i32
      %lt3A_600 = arith.constant 80 : i32
      %lt3A_601 = arith.cmpi slt, %add3A_599, %lt3A_600 : i32
      %convert_element_type3A_602 = arith.extui %lt3A_601 : i1 to i32
      %cond3A_603 = arith.constant 0 : i32
      %cond3A_604 = arith.cmpi ne, %convert_element_type3A_602, %cond3A_603 : i32
      scf.if %cond3A_604 {
        %ge3A = arith.constant 1 : i32
        %ge3A_605 = arith.cmpi sge, %add3A_544, %ge3A : i32
        %convert_element_type3A_606 = arith.extui %ge3A_605 : i1 to i32
        %cond3A_607 = arith.constant 0 : i32
        %cond3A_608 = arith.cmpi ne, %convert_element_type3A_606, %cond3A_607 : i32
        scf.if %cond3A_608 {
          %sub3A_617 = arith.constant 1 : i32
          %sub3A_618 = arith.subi %add3A_544, %sub3A_617 : i32
          %jit3A_619 = arith.constant 4 : i32
          %eq3A_620 = arith.constant 0 : i32
          %eq3A_621 = arith.cmpi eq, %jit3A_619, %eq3A_620 : i32
          %jit3A_622 = arith.constant 1 : i32
          %select_n3A_623 = arith.select %eq3A_621, %jit3A_622, %jit3A_619 : i32
          %rem3A_624 = arith.remsi %sub3A_618, %select_n3A_623 : i32
          %ne3A_625 = arith.constant 0 : i32
          %ne3A_626 = arith.cmpi ne, %rem3A_624, %ne3A_625 : i32
          %lt3A_627 = arith.constant 0 : i32
          %lt3A_628 = arith.cmpi slt, %rem3A_624, %lt3A_627 : i32
          %lt3A_629 = arith.constant 0 : i32
          %lt3A_630 = arith.cmpi slt, %select_n3A_623, %lt3A_629 : i32
          %ne3A_631 = arith.xori %lt3A_628, %lt3A_630 : i1
          %and3A_632 = arith.andi %ne3A_631, %ne3A_626 : i1
          %add3A_633 = arith.addi %rem3A_624, %select_n3A_623 : i32
          %select_n3A_634 = arith.select %and3A_632, %add3A_633, %rem3A_624 : i32
          %mul3A_635 = arith.constant 8 : i32
          %mul3A_636 = arith.muli %select_n3A_634, %mul3A_635 : i32
          %add3A_637 = arith.addi %mul3A_2, %mul3A_636 : i32
          %jit3A_638 = arith.constant 4 : i32
          %div3A_639 = arith.divsi %sub3A_618, %jit3A_638 : i32
          %sign3A_640 = arith.constant 0 : i32
          %sign3A_641 = arith.cmpi sgt, %sub3A_618, %sign3A_640 : i32
          %sign3A_642 = arith.extui %sign3A_641 : i1 to i32
          %sign3A_643 = arith.constant 0 : i32
          %sign3A_644 = arith.cmpi slt, %sub3A_618, %sign3A_643 : i32
          %sign3A_645 = arith.extui %sign3A_644 : i1 to i32
          %sign3A_646 = arith.subi %sign3A_642, %sign3A_645 : i32
          %sign3A_647 = arith.constant 0 : i32
          %sign3A_648 = arith.cmpi sgt, %jit3A_638, %sign3A_647 : i32
          %sign3A_649 = arith.extui %sign3A_648 : i1 to i32
          %sign3A_650 = arith.constant 0 : i32
          %sign3A_651 = arith.cmpi slt, %jit3A_638, %sign3A_650 : i32
          %sign3A_652 = arith.extui %sign3A_651 : i1 to i32
          %sign3A_653 = arith.subi %sign3A_649, %sign3A_652 : i32
          %ne3A_654 = arith.cmpi ne, %sign3A_646, %sign3A_653 : i32
          %rem3A_655 = arith.remsi %sub3A_618, %jit3A_638 : i32
          %ne3A_656 = arith.constant 0 : i32
          %ne3A_657 = arith.cmpi ne, %rem3A_655, %ne3A_656 : i32
          %and3A_658 = arith.andi %ne3A_654, %ne3A_657 : i1
          %sub3A_659 = arith.constant 1 : i32
          %sub3A_660 = arith.subi %div3A_639, %sub3A_659 : i32
          %select_n3A_661 = arith.select %and3A_658, %sub3A_660, %div3A_639 : i32
          %mul3A_662 = arith.constant 4096 : i32
          %mul3A_663 = arith.muli %select_n3A_661, %mul3A_662 : i32
          %dma_wait3A_664 = tpu.memref_slice %arg4[%add3A_637, %mul3A_663] : memref<1024x81920xf32, #tpu.memory_space<hbm>> -> memref<8x4096xf32, #tpu.memory_space<hbm>>
          %dma_wait3A_665 = tpu.memref_slice %arg4[%add3A_637, %mul3A_663] : memref<1024x81920xf32, #tpu.memory_space<hbm>> -> memref<8x4096xf32, #tpu.memory_space<hbm>>
          tpu.wait_dma2 semaphore(%arg14 : memref<!tpu.dma_semaphore, #tpu.memory_space<semaphore_mem>>) src(%arg8 : memref<8x4096xf32, #tpu.memory_space<vmem>>) dst(%dma_wait3A_665 : memref<8x4096xf32, #tpu.memory_space<hbm>>)
        } else {
        }
        %add3A_609 = arith.constant 2 : i32
        %add3A_610 = arith.addi %add3A_544, %add3A_609 : i32
        %dma_start3A_611 = arith.constant 0 : i32
        %dma_start3A_612 = tpu.memref_slice %arg6[%add3A_610, %dma_start3A_611] : memref<80x8xi32, #tpu.memory_space<vmem>> -> memref<1x8xi32, #tpu.memory_space<vmem>>
        %dma_start3A_613 = tpu.memref_squeeze %dma_start3A_612 : memref<1x8xi32, #tpu.memory_space<vmem>> -> memref<8xi32, #tpu.memory_space<vmem>>
        %dma_start3A_614 = arith.constant 0 : i32
        %dma_start3A_615 = arith.constant 0 : i32
        %dma_start3A_616 = tpu.memref_slice %arg2[%dma_start3A_614, %dma_start3A_615] : memref<30000x4096xf32, #tpu.memory_space<hbm>> -> memref<30000x4096xf32, #tpu.memory_space<hbm>>
        tpu.enqueue_indirect_dma source(%dma_start3A_616 : memref<30000x4096xf32, #tpu.memory_space<hbm>>) target(%arg8 : memref<8x4096xf32, #tpu.memory_space<vmem>>) offsets(%dma_start3A_613 : memref<8xi32, #tpu.memory_space<vmem>>) semaphore(%arg11 : memref<!tpu.dma_semaphore, #tpu.memory_space<semaphore_mem>>)
      } else {
      }
    }
    %scan3A_381 = arith.constant 26 : i32
    %dma_wait3A = arith.constant 78 : i32
    %dma_wait3A_382 = arith.constant 0 : i32
    %dma_wait3A_383 = tpu.memref_slice %arg6[%dma_wait3A, %dma_wait3A_382] : memref<80x8xi32, #tpu.memory_space<vmem>> -> memref<1x8xi32, #tpu.memory_space<vmem>>
    %dma_wait3A_384 = tpu.memref_squeeze %dma_wait3A_383 : memref<1x8xi32, #tpu.memory_space<vmem>> -> memref<8xi32, #tpu.memory_space<vmem>>
    %dma_wait3A_385 = arith.constant 0 : i32
    %dma_wait3A_386 = arith.constant 0 : i32
    %dma_wait3A_387 = tpu.memref_slice %arg2[%dma_wait3A_385, %dma_wait3A_386] : memref<30000x4096xf32, #tpu.memory_space<hbm>> -> memref<30000x4096xf32, #tpu.memory_space<hbm>>
    tpu.wait_indirect_dma semaphore(%arg10 : memref<!tpu.dma_semaphore, #tpu.memory_space<semaphore_mem>>) src(%dma_wait3A_387 : memref<30000x4096xf32, #tpu.memory_space<hbm>>) dst(%arg7 : memref<8x4096xf32, #tpu.memory_space<vmem>>)
    %add3A_388 = arith.constant 16 : i32
    %add3A_389 = arith.addi %mul3A_2, %add3A_388 : i32
    %dma_start3A_390 = arith.constant 77824 : i32
    %dma_start3A_391 = tpu.memref_slice %arg4[%add3A_389, %dma_start3A_390] : memref<1024x81920xf32, #tpu.memory_space<hbm>> -> memref<8x4096xf32, #tpu.memory_space<hbm>>
    %dma_start3A_392 = arith.constant 77824 : i32
    %dma_start3A_393 = tpu.memref_slice %arg4[%add3A_389, %dma_start3A_392] : memref<1024x81920xf32, #tpu.memory_space<hbm>> -> memref<8x4096xf32, #tpu.memory_space<hbm>>
    tpu.enqueue_dma source(%arg7 : memref<8x4096xf32, #tpu.memory_space<vmem>>) target(%dma_start3A_393 : memref<8x4096xf32, #tpu.memory_space<hbm>>) target_semaphore(%arg13 : memref<!tpu.dma_semaphore, #tpu.memory_space<semaphore_mem>>)
    %dma_wait3A_394 = arith.constant 79 : i32
    %dma_wait3A_395 = arith.constant 0 : i32
    %dma_wait3A_396 = tpu.memref_slice %arg6[%dma_wait3A_394, %dma_wait3A_395] : memref<80x8xi32, #tpu.memory_space<vmem>> -> memref<1x8xi32, #tpu.memory_space<vmem>>
    %dma_wait3A_397 = tpu.memref_squeeze %dma_wait3A_396 : memref<1x8xi32, #tpu.memory_space<vmem>> -> memref<8xi32, #tpu.memory_space<vmem>>
    %dma_wait3A_398 = arith.constant 0 : i32
    %dma_wait3A_399 = arith.constant 0 : i32
    %dma_wait3A_400 = tpu.memref_slice %arg2[%dma_wait3A_398, %dma_wait3A_399] : memref<30000x4096xf32, #tpu.memory_space<hbm>> -> memref<30000x4096xf32, #tpu.memory_space<hbm>>
    tpu.wait_indirect_dma semaphore(%arg11 : memref<!tpu.dma_semaphore, #tpu.memory_space<semaphore_mem>>) src(%dma_wait3A_400 : memref<30000x4096xf32, #tpu.memory_space<hbm>>) dst(%arg8 : memref<8x4096xf32, #tpu.memory_space<vmem>>)
    %add3A_401 = arith.constant 24 : i32
    %add3A_402 = arith.addi %mul3A_2, %add3A_401 : i32
    %dma_start3A_403 = arith.constant 77824 : i32
    %dma_start3A_404 = tpu.memref_slice %arg4[%add3A_402, %dma_start3A_403] : memref<1024x81920xf32, #tpu.memory_space<hbm>> -> memref<8x4096xf32, #tpu.memory_space<hbm>>
    %dma_start3A_405 = arith.constant 77824 : i32
    %dma_start3A_406 = tpu.memref_slice %arg4[%add3A_402, %dma_start3A_405] : memref<1024x81920xf32, #tpu.memory_space<hbm>> -> memref<8x4096xf32, #tpu.memory_space<hbm>>
    tpu.enqueue_dma source(%arg8 : memref<8x4096xf32, #tpu.memory_space<vmem>>) target(%dma_start3A_406 : memref<8x4096xf32, #tpu.memory_space<hbm>>) target_semaphore(%arg14 : memref<!tpu.dma_semaphore, #tpu.memory_space<semaphore_mem>>)
    %add3A_407 = arith.constant 8 : i32
    %add3A_408 = arith.addi %mul3A_2, %add3A_407 : i32
    %dma_wait3A_409 = arith.constant 77824 : i32
    %dma_wait3A_410 = tpu.memref_slice %arg4[%add3A_408, %dma_wait3A_409] : memref<1024x81920xf32, #tpu.memory_space<hbm>> -> memref<8x4096xf32, #tpu.memory_space<hbm>>
    %dma_wait3A_411 = arith.constant 77824 : i32
    %dma_wait3A_412 = tpu.memref_slice %arg4[%add3A_408, %dma_wait3A_411] : memref<1024x81920xf32, #tpu.memory_space<hbm>> -> memref<8x4096xf32, #tpu.memory_space<hbm>>
    tpu.wait_dma2 semaphore(%arg15 : memref<!tpu.dma_semaphore, #tpu.memory_space<semaphore_mem>>) src(%arg9 : memref<8x4096xf32, #tpu.memory_space<vmem>>) dst(%dma_wait3A_412 : memref<8x4096xf32, #tpu.memory_space<hbm>>)
    %add3A_413 = arith.constant 16 : i32
    %add3A_414 = arith.addi %mul3A_2, %add3A_413 : i32
    %dma_wait3A_415 = arith.constant 77824 : i32
    %dma_wait3A_416 = tpu.memref_slice %arg4[%add3A_414, %dma_wait3A_415] : memref<1024x81920xf32, #tpu.memory_space<hbm>> -> memref<8x4096xf32, #tpu.memory_space<hbm>>
    %dma_wait3A_417 = arith.constant 77824 : i32
    %dma_wait3A_418 = tpu.memref_slice %arg4[%add3A_414, %dma_wait3A_417] : memref<1024x81920xf32, #tpu.memory_space<hbm>> -> memref<8x4096xf32, #tpu.memory_space<hbm>>
    tpu.wait_dma2 semaphore(%arg13 : memref<!tpu.dma_semaphore, #tpu.memory_space<semaphore_mem>>) src(%arg7 : memref<8x4096xf32, #tpu.memory_space<vmem>>) dst(%dma_wait3A_418 : memref<8x4096xf32, #tpu.memory_space<hbm>>)
    %add3A_419 = arith.constant 24 : i32
    %add3A_420 = arith.addi %mul3A_2, %add3A_419 : i32
    %dma_wait3A_421 = arith.constant 77824 : i32
    %dma_wait3A_422 = tpu.memref_slice %arg4[%add3A_420, %dma_wait3A_421] : memref<1024x81920xf32, #tpu.memory_space<hbm>> -> memref<8x4096xf32, #tpu.memory_space<hbm>>
    %dma_wait3A_423 = arith.constant 77824 : i32
    %dma_wait3A_424 = tpu.memref_slice %arg4[%add3A_420, %dma_wait3A_423] : memref<1024x81920xf32, #tpu.memory_space<hbm>> -> memref<8x4096xf32, #tpu.memory_space<hbm>>
    tpu.wait_dma2 semaphore(%arg14 : memref<!tpu.dma_semaphore, #tpu.memory_space<semaphore_mem>>) src(%arg8 : memref<8x4096xf32, #tpu.memory_space<vmem>>) dst(%dma_wait3A_424 : memref<8x4096xf32, #tpu.memory_space<hbm>>)
    return
  }
}

</mosaic_0001>

<sc_bundles>
// kernel: kernel.3.cloned.1.call-start
scs
__scs_entry_jumppad:
0x0: {  	(pc) =	sbr.rel $0x88, $3  }
0x1: {  	(tag) =	ssettag $0x0;
	lr =	simm.s32 $0x1  }
0x2: {  	[smem:$0x3F9F] =	sst lr;
	_ =	strace $0xD0000000  }
0x3: {  	_ = 	snop  }
0x4: {  	_ = 	snop  }
0x5: {  	_ = 	snop  }
0x6: {  	_ = 	snop  }
0x7: {  	_ = 	snop  }
__scs_overlays_trampoline_lowered:
0x8: {  	[smem:$0x3FAE] =	sst s0  }
0x9: {  	[smem:$0x3FAF] =	sst s1  }
0xa: {  	[smem:$0x3FB0] =	sst s2  }
0xb: {  	[smem:$0x3FB1] =	sst s3  }
0xc: {  	[smem:$0x3FB2] =	sst s4  }
0xd: {  	[smem:$0x3FB3] =	sst s5  }
0xe: {  	[smem:$0x3FB4] =	sst s6  }
0xf: {  	[smem:$0x3FB5] =	sst s7  }
0x10: {  	[smem:$0x3FB6] =	sst s8  }
0x11: {  	[smem:$0x3FB7] =	sst s9;
	s0 =	simm.s32 @!p0 $0x0  }
0x12: {  	s1 =	sld [smem:$0x3F9D];
	s0 =	simm.s32 @p0 $0x1  }
0x13: {  	[smem:$0x3FB8] =	sst s0;
	s0 =	simm.s32 @!p1 $0x0  }
0x14: {  	s2 =	sld [smem:$0x3F9C];
	s0 =	simm.s32 @p1 $0x1  }
0x15: {  	[smem:$0x3FB9] =	sst s0;
	s0 =	simm.s32 @!p2 $0x0  }
0x16: {  	s3 =	sld [smem:$0x3FDB];
	s0 =	simm.s32 @p2 $0x1  }
0x17: {  	s4 =	simm.s32 $0x1BF5;
	[smem:$0x3FBB] =	sst s0  }
0x18: {  	s0 =	sld [smem:$0x3F9E];
	_ =	swait.ge [sflag:s4], $0x0  }
0x19: {  	s7 =	sld [smem:$0x3F9F]  }
0x1a: {  	s8 =	sadd.s32 $0xFFFFE003, lr  }
0x1b: {  	s9 =	sadd.s32 $0xFFFFFEF7, lr;
	s5 =	simm.s32 $0xFFFFFFFF;
	p2 =	slt.u32 s8, $0xFFFFF086  }
0x1c: {  	p1 =	slt.u32 s9, $0xF7A;
	s5 =	simm.s32 @!p2 $0x0  }
0x1d: {  	s5 =	simm.s32 @p1 $0x1;
	p0 =	seq.s32 s7, s2  }
0x1e: {  	s7 =	smul.u32 @!p0 $0xF7A, s2;
	p2 =	seq.s32 @!p0 s5, $0x0  }
0x1f: {  	s9 =	smul.u32 $0xF7A, s1;
	s8 =	simm.s32 @!p0 $0x1BF5;
	p2 =	por !p2, p0  }
0x20: {  	[sflag:s8] =	ssyncset.s32 @!p0 $0xFFFFF086;
	s6 =	sadd.s32 @!p0 s3, s7;
	s7 =	simm.s32 @!p0 $0x108  }
0x21: {  	s3 =	sadd.s32 s3, s9;
	s6 =	sadd.s32 @!p0 $0x88, s6;
	s7 =	simm.s32 @p2 $0x1082  }
0x22: {  	[simem:s7], [sflag:s8] =	dma.local @!p0 [hbm:s6], $0xF7A  }
0x23: {  	s9 =	sor.u32 $0xD0000000, s2;
	s6 =	simm.s32 $0x108;
	_ =	swait.ge @!p0 [sflag:s8], $0x0  }
0x24: {  	s3 =	sadd.s32 $0x88, s3;
	s6 =	simm.s32 @!p1 $0x1082;
	[sflag:s4] =	ssyncset.s32 $0xFFFFF086  }
0x25: {  	[simem:s6], [sflag:s4] =	dma.local [hbm:s3], $0xF7A  }
0x26: {  	[smem:$0x3F9F] =	sst s1;
	(tag) =	ssettag s2;
	_ =	strace s9  }
0x27: {  	s1 =	sld [smem:$0x3FAF]  }
0x28: {  	s2 =	sld [smem:$0x3FB0]  }
0x29: {  	s4 =	sld [smem:$0x3FB2]  }
0x2a: {  	p0 =	seq.s32 s5, $0x0;
	s5 =	sld [smem:$0x3FB3]  }
0x2b: {  	s6 =	sld [smem:$0x3FB4]  }
0x2c: {  	s7 =	sld [smem:$0x3FB5]  }
0x2d: {  	s3 =	simm.s32 $0x108;
	s8 =	sld [smem:$0x3FB6]  }
0x2e: {  	s3 =	simm.s32 @!p0 $0x1082;
	s9 =	sld [smem:$0x3FB7]  }
0x2f: {  	lr =	sadd.s32 s0, s3;
	s0 =	sld [smem:$0x3FAE]  }
0x30: {  	s3 =	sld [smem:$0x3FB1]  }
0x31: {  	[smem:$0x3FBA] =	sst s10  }
0x32: {  	s10 =	sld [smem:$0x3FB8];
	_ =	sdelay $0x3  }
0x33: {  	p0 =	seq.s32 s10, $0x1;
	s10 =	sld [smem:$0x3FBA];
	_ =	sdelay $0x3  }
0x34: {  	[smem:$0x3FBA] =	sst s10  }
0x35: {  	s10 =	sld [smem:$0x3FB9];
	_ =	sdelay $0x3  }
0x36: {  	p1 =	seq.s32 s10, $0x1;
	s10 =	sld [smem:$0x3FBA];
	_ =	sdelay $0x3  }
0x37: {  	[smem:$0x3FBA] =	sst s10  }
0x38: {  	s10 =	sld [smem:$0x3FBB]  }
0x39: {  	_ = 	snop;
	(pc) =	sbr.ind lr, $3  }
0x3a: {  	_ = 	snop  }
0x3b: {  	_ = 	snop  }
0x3c: {  	p2 =	seq.s32 s10, $0x1;
	s10 =	sld [smem:$0x3FBA]  }
0x3d: {  	_ =	shalt  }
0x3e: {  	_ =	shalt  }
0x3f: {  	_ =	shalt  }
0x40: {  	_ =	shalt  }
0x41: {  	_ =	shalt  }
0x42: {  	_ =	shalt  }
0x43: {  	_ =	shalt  }
0x44: {  	_ =	shalt  }
0x45: {  	_ =	shalt  }
0x46: {  	_ =	shalt  }
0x47: {  	_ =	shalt  }
0x48: {  	_ =	shalt  }
0x49: {  	_ =	shalt  }
0x4a: {  	_ =	shalt  }
0x4b: {  	_ =	shalt  }
0x4c: {  	_ =	shalt  }
0x4d: {  	_ =	shalt  }
0x4e: {  	_ =	shalt  }
0x4f: {  	_ =	shalt  }
0x50: {  	_ =	shalt  }
0x51: {  	_ =	shalt  }
0x52: {  	_ =	shalt  }
0x53: {  	_ =	shalt  }
0x54: {  	_ =	shalt  }
0x55: {  	_ =	shalt  }
0x56: {  	_ =	shalt  }
0x57: {  	_ =	shalt  }
0x58: {  	_ =	shalt  }
0x59: {  	_ =	shalt  }
0x5a: {  	_ =	shalt  }
0x5b: {  	_ =	shalt  }
0x5c: {  	_ =	shalt  }
0x5d: {  	_ =	shalt  }
0x5e: {  	_ =	shalt  }
0x5f: {  	_ =	shalt  }
0x60: {  	_ =	shalt  }
0x61: {  	_ =	shalt  }
0x62: {  	_ =	shalt  }
0x63: {  	_ =	shalt  }
0x64: {  	_ =	shalt  }
0x65: {  	_ =	shalt  }
0x66: {  	_ =	shalt  }
0x67: {  	_ =	shalt  }
0x68: {  	_ =	shalt  }
0x69: {  	_ =	shalt  }
0x6a: {  	_ =	shalt  }
0x6b: {  	_ =	shalt  }
0x6c: {  	_ =	shalt  }
0x6d: {  	_ =	shalt  }
0x6e: {  	_ =	shalt  }
0x6f: {  	_ =	shalt  }
0x70: {  	_ =	shalt  }
0x71: {  	_ =	shalt  }
0x72: {  	_ =	shalt  }
0x73: {  	_ =	shalt  }
0x74: {  	_ =	shalt  }
0x75: {  	_ =	shalt  }
0x76: {  	_ =	shalt  }
0x77: {  	_ =	shalt  }
0x78: {  	_ =	shalt  }
0x79: {  	_ =	shalt  }
0x7a: {  	_ =	shalt  }
0x7b: {  	_ =	shalt  }
0x7c: {  	_ =	shalt  }
0x7d: {  	_ =	shalt  }
0x7e: {  	_ =	shalt  }
0x7f: {  	_ =	shalt  }
0x80: {  	_ =	shalt  }
0x81: {  	_ =	shalt  }
0x82: {  	_ =	shalt  }
0x83: {  	_ =	shalt  }
0x84: {  	_ =	shalt  }
0x85: {  	_ =	shalt  }
0x86: {  	_ =	shalt  }
0x87: {  	_ =	shalt  }
.Lfunc_end0:
.L_simem_size_0:
called_computation_lowered:
.L_overlay_start_0:
0x88: {  	s2 =	sld [smem:$0x3FD9]  }
0x89: {  	s3 =	sld [smem:$0x3FFE];
	_ =	sdelay $0x1  }
0x8a: {  	s1 =	srdreg.scid  }
0x8b: {  	s0 =	sand.u32 $0x1, s1  }
0x8c: {  	s17 =	sshll.u32 s0, $0xA;
	s2 =	sadd.s32 s3, s2  }
0x8d: {  	s2 =	sadd.s32 s2, s17  }
0x8e: {  	[smem:$0x3FC6] =	sst s2  }
0x8f: {  	_ = 	snop  }
0x90: {  	s2 =	sld [smem:$0x3FC8]  }
0x91: {  	s18 =	sld [smem:$0x3FD0];
	(tm) =	ssettm $0x1  }
0x92: {  	s4 =	sld [smem:$0x3FFB];
	_ =	sdelay $0x3  }
0x93: {  	_ =	strace s4  }
0x94: {  	s4 =	sld [smem:$0x3FFC];
	_ =	sdelay $0x3  }
0x95: {  	_ =	strace s4  }
0x96: {  	s4 =	sld [smem:$0x3FFD];
	_ =	sdelay $0x3  }
0x97: {  	_ =	strace s4  }
0x98: {  	_ =	strace $0x8FFFFFFF  }
0x99: {  	s19 =	sld [smem:$0x3FDB];
	_ =	sdelay $0x1  }
0x9a: {  	s5 =	simm.s32 $_scs_section_size  }
0x9b: {  	s6 =	simm.s32 $_size__tile_overlayer_lowered;
	s7 =	simm.s32 $_tile_overlayer_lowered  }
0x9c: {  	s22 =	simm.s32 $0x1BFF;
	s21 =	sshll.u32 s7, $0x1;
	s4 =	sadd.s32 s5, s19  }
0x9d: {  	s8 =	simm.s32 $0x0;
	s20 =	sshll.u32 s6, $0x1;
	s6 =	sadd.s32 s21, s4  }
0x9e: {  	[timem:s8], [sflag:s22] =	dma.local [hbm:s6], s20  }
0x9f: {  	_ =	swait.ge [sflag:s22], s20  }
0xa0: {  	s5 =	ssub.s32 $0x0, s20;
	[sflag:s22] =	ssyncset.done $0x0  }
0xa1: {  	[sflag:s22] =	ssyncadd.s32 s5;
	_ =	sdelay $0x1  }
0xa2: {  	s23 =	simm.s32 $0x1B8B  }
0xa3: {  	_ =	swait.ge [sflag:s23], $0x1  }
0xa4: {  	[sflag:s23] =	ssyncset.done $0x0  }
0xa5: {  	s25 =	simm.s32 $0x1B8E;
	s24 =	sld [smem:$0x3FFE];
	[sflag:s23] =	ssyncadd.s32 $0xFFFFFFFF  }
0xa6: {  	s26 =	simm.s32 $execute0_lowered;
	[smem:$0x3FD2] =	sst s25  }
0xa7: {  	s6 =	sshll.u32 s26, $0x1;
	_ =	strace $0x80000046;
	[dreg:$0x1] =	wrdreg $0xFFFFFFFF  }
0xa8: {  	s28 =	simm.s32 $_size_execute0_lowered;
	s4 =	sadd.s32 s4, s6;
	[dreg:$0x0] =	wrdreg $0x0  }
0xa9: {  	s6 =	sshll.u32 s28, $0x1;
	[dreg:$0x2] =	wrdreg s4  }
0xaa: {  	[dreg:$0x3] =	wrdreg s6  }
0xab: {  	[dreg:$0x4] =	wrdreg $0xC0  }
0xac: {  	_ =	task [dreg:s8], $0x5FFFF  }
0xad: {  	[dreg:$0x1] =	wrdreg $0xFFFFFFFF  }
0xae: {  	[dreg:$0x0] =	wrdreg $0x60  }
0xaf: {  	[dreg:$0x2] =	wrdreg s2  }
0xb0: {  	[dreg:$0x3] =	wrdreg s24  }
0xb1: {  	[dreg:$0x4] =	wrdreg s18  }
0xb2: {  	[dreg:$0x5] =	wrdreg $0x9  }
0xb3: {  	_ =	task.clear_ibuf [dreg:s8], $0x6FFFF;
	_ =	strace $0x90000046  }
0xb4: {  	s29 =	simm.s32 $0x9;
	_ =	strace $0x80000048  }
0xb5: {  	_ =	swait.ge [sflag:s29], $0x1  }
0xb6: {  	[sflag:s29] =	ssyncadd.s32 $0xFFFFFFFF  }
0xb7: {  	_ =	strace $0x90000048  }
0xb8: {  	_ =	sfence  }
0xb9: {  	s30 =	sld [smem:$0x0];
	_ =	sdelay $0x2  }
0xba: {  	s31 =	sshll.u32 s1, $0xD;
	s1 =	sshrl.u32 s1, $0x2  }
0xbb: {  	s3 =	sand.u32 $0x4000, s31;
	s1 =	sadd.s32 s1, s30  }
0xbc: {  	s0 =	sor.u32 s3, s0;
	s1 =	sshll.u32 s1, $0x11  }
0xbd: {  	s0 =	sor.u32 s1, s0  }
0xbe: {  	s0 =	sadd.s32 $0x8F2B, s0  }
0xbf: {  	[sflag:s0] =	ssyncadd.remote.s32 $0x1  }
0xc0: {  	_ =	sfence.sel $0xFFFF  }
0xc1: {  	[dreg:$0x0] =	wrdreg $0xFFFFFFFF;
	(pc) =	sbr.abs _section_cstart, $3  }
0xc2: {  	[dreg:$0x1] =	wrdreg $0xFFFFFFFF  }
0xc3: {  	_ =	task.clear_ibuf [dreg:s8], $0x2FFFF;
	_ =	strace $0x9FFFFFFF  }
0xc4: {  	(tm) =	ssettm $0x7FFFFFFF  }
0xc5: {  	_ =	shalt  }
tec
execute0_lowered:
.L_overlay_start_1:
0x0: {  	(tag) =	ssettag $0x1  }
0x1: {  	v0 =	vimm.s32 $0x83828180;
	v1 =	vimm.s32 $0x87868584;
	v4 =	vlaneseq.u32  }
0x2: {  	v2 =	vimm.s32 $0x76543210;
	v3 =	vimm.s32 $0x187;
	vm15 =	vcmask $0x300  }
0x3: {  	vm14 =	vcmask $0x704;
	vm1 =	vcmask $0x1F10;
	v2 =	vunpack.c.l.s4.s8 v2  }
0x4: {  	v0 =	vunpack.c.0.s8.s32 v0;
	v1 =	vunpack.c.0.s8.s32 v1;
	v3 =	vsel vm15, $0x100, v3  }
0x5: {  	vm13 =	vcmask $0xB08;
	v3 =	vsel vm14, $0x101, v3;
	v2 =	vunpack.c.0.s8.s32 v2  }
0x6: {  	vm12 =	vcmask $0xF0C;
	v3 =	vsel vm13, $0x102, v3;
	v0 =	vsel vm1, v1, v0  }
0x7: {  	vm11 =	vcmask $0x1310;
	v1 =	vsel vm12, $0x103, v3;
	v0 =	vcombine.low v2, v0  }
0x8: {  	vm10 =	vcmask $0x1714;
	v2 =	vsel vm11, $0x104, v1;
	v1 =	vmul.u32 $0x80, v4  }
0x9: {  	vm9 =	vcmask $0x1B18;
	v2 =	vsel vm10, $0x105, v2;
	v0 =	vand.u32 $0xFF, v0  }
0xa: {  	[tilespmem:$0x1FF40] =	vst v0;
	v0 =	vsel vm9, $0x106, v2;
	v2 =	vor.u32 $0x800, v1  }
0xb: {  	vm8 =	vcmask $0x1F1C;
	vm2 =	vcmask $0x2724;
	[tilespmem:$0x1FF50] =	vst v2;
	v2 =	vimm.s32 $0x287  }
0xc: {  	vm3 =	vcmask $0x2B28;
	vm4 =	vcmask $0x2F2C;
	v2 =	vsel vm15, $0x200, v2  }
0xd: {  	vm5 =	vcmask $0x3330;
	v3 =	vimm.s32 $0x387;
	v2 =	vsel vm14, $0x201, v2  }
0xe: {  	vm6 =	vcmask $0x3734;
	v3 =	vsel vm15, $0x300, v3;
	v2 =	vsel vm13, $0x202, v2  }
0xf: {  	vm7 =	vcmask $0x3B38;
	v3 =	vsel vm14, $0x301, v3;
	v2 =	vsel vm12, $0x203, v2  }
0x10: {  	vm1 =	vcmask $0x2320;
	v3 =	vsel vm13, $0x302, v3;
	v2 =	vsel vm11, $0x204, v2  }
0x11: {  	v3 =	vsel vm12, $0x303, v3;
	v0 =	vsel vm8, $0x107, v0;
	v2 =	vsel vm10, $0x205, v2  }
0x12: {  	v3 =	vsel vm11, $0x304, v3;
	v0 =	vsel vm1, $0x180, v0;
	v2 =	vsel vm9, $0x206, v2  }
0x13: {  	v3 =	vsel vm10, $0x305, v3;
	v0 =	vsel vm2, $0x181, v0;
	v2 =	vsel vm8, $0x207, v2  }
0x14: {  	v3 =	vsel vm9, $0x306, v3;
	v0 =	vsel vm3, $0x182, v0;
	v2 =	vsel vm1, $0x280, v2  }
0x15: {  	v3 =	vsel vm8, $0x307, v3;
	v0 =	vsel vm4, $0x183, v0;
	v2 =	vsel vm2, $0x281, v2  }
0x16: {  	v3 =	vsel vm1, $0x380, v3;
	v0 =	vsel vm5, $0x184, v0;
	v2 =	vsel vm3, $0x282, v2  }
0x17: {  	v3 =	vsel vm2, $0x381, v3;
	v0 =	vsel vm6, $0x185, v0;
	v2 =	vsel vm4, $0x283, v2  }
0x18: {  	v3 =	vsel vm3, $0x382, v3;
	v0 =	vsel vm7, $0x186, v0;
	v2 =	vsel vm5, $0x284, v2  }
0x19: {  	v3 =	vsel vm4, $0x383, v3;
	[tilespmem:$0x1FF60] =	vst v0;
	v0 =	vsel vm6, $0x285, v2  }
0x1a: {  	v2 =	vsel vm5, $0x384, v3;
	v0 =	vsel vm7, $0x286, v0  }
0x1b: {  	vm0 =	vmmov $0xffff;
	v15 =	vor.u32 $0x803, v1;
	[tilespmem:$0x1FF80] =	vst v0;
	v0 =	vsel vm6, $0x385, v2  }
0x1c: {  	v17 =	vor.u32 $0x4, v1;
	v19 =	vor.u32 $0x804, v1;
	v0 =	vsel vm7, $0x386, v0  }
0x1d: {  	v21 =	vor.u32 $0x5, v1;
	v2 =	vor.u32 $0x801, v1;
	[tilespmem:$0x1FFA0] =	vst v0;
	v0 =	vimm.s32 $0x487  }
0x1e: {  	v23 =	vor.u32 $0x805, v1;
	[tilespmem:$0x1FF90] =	vst v2;
	v2 =	vor.u32 $0x2, v1;
	v0 =	vsel vm15, $0x400, v0  }
0x1f: {  	v25 =	vor.u32 $0x6, v1;
	[tilespmem:$0x1FFB0] =	vst v2;
	v2 =	vimm.s32 $0x587;
	v0 =	vsel vm14, $0x401, v0  }
0x20: {  	v3 =	vor.u32 $0x1, v1;
	v2 =	vsel vm15, $0x500, v2;
	v0 =	vsel vm13, $0x402, v0  }
0x21: {  	[tilespmem:$0x1FF70] =	vst v3;
	v3 =	vimm.s32 $0x687;
	v2 =	vsel vm14, $0x501, v2;
	v0 =	vsel vm12, $0x403, v0  }
0x22: {  	v3 =	vsel vm15, $0x600, v3;
	v2 =	vsel vm13, $0x502, v2;
	v0 =	vsel vm11, $0x404, v0  }
0x23: {  	v3 =	vsel vm14, $0x601, v3;
	v2 =	vsel vm12, $0x503, v2;
	v0 =	vsel vm10, $0x405, v0  }
0x24: {  	v3 =	vsel vm13, $0x602, v3;
	v2 =	vsel vm11, $0x504, v2;
	v0 =	vsel vm9, $0x406, v0  }
0x25: {  	v3 =	vsel vm12, $0x603, v3;
	v2 =	vsel vm10, $0x505, v2;
	v0 =	vsel vm8, $0x407, v0  }
0x26: {  	v3 =	vsel vm11, $0x604, v3;
	v2 =	vsel vm9, $0x506, v2;
	v0 =	vsel vm1, $0x480, v0  }
0x27: {  	v3 =	vsel vm10, $0x605, v3;
	v2 =	vsel vm8, $0x507, v2;
	v0 =	vsel vm2, $0x481, v0  }
0x28: {  	v3 =	vsel vm9, $0x606, v3;
	v2 =	vsel vm1, $0x580, v2;
	v0 =	vsel vm3, $0x482, v0  }
0x29: {  	v3 =	vsel vm8, $0x607, v3;
	v2 =	vsel vm2, $0x581, v2;
	v0 =	vsel vm4, $0x483, v0  }
0x2a: {  	v3 =	vsel vm1, $0x680, v3;
	v2 =	vsel vm3, $0x582, v2;
	v0 =	vsel vm5, $0x484, v0  }
0x2b: {  	v3 =	vsel vm2, $0x681, v3;
	v2 =	vsel vm4, $0x583, v2;
	v0 =	vsel vm6, $0x485, v0  }
0x2c: {  	v3 =	vsel vm3, $0x682, v3;
	v2 =	vsel vm5, $0x584, v2;
	v0 =	vsel vm7, $0x486, v0  }
0x2d: {  	v27 =	vor.u32 $0x806, v1;
	v3 =	vsel vm4, $0x683, v3;
	[tilespmem:$0x1FFC0] =	vst v0;
	v0 =	vsel vm6, $0x585, v2  }
0x2e: {  	v29 =	vor.u32 $0x7, v1;
	v2 =	vsel vm5, $0x684, v3;
	v0 =	vsel vm7, $0x586, v0  }
0x2f: {  	v31 =	vor.u32 $0x807, v1;
	v33 =	vor.u32 $0x8, v1;
	[tilespmem:$0x1FFE0] =	vst v0;
	v0 =	vsel vm6, $0x685, v2  }
0x30: {  	v2 =	vor.u32 $0x3, v1;
	v14 =	vsel vm7, $0x686, v0;
	v0 =	vimm.s32 $0x787  }
0x31: {  	v3 =	vor.u32 $0x802, v1;
	[tilespmem:$0x1FFF0] =	vst v2;
	v2 =	vimm.s32 $0x887;
	v0 =	vsel vm15, $0x700, v0  }
0x32: {  	[tilespmem:$0x1FFD0] =	vst v3;
	v3 =	vimm.s32 $0x987;
	v2 =	vsel vm15, $0x800, v2;
	v0 =	vsel vm14, $0x701, v0  }
0x33: {  	v3 =	vsel vm15, $0x900, v3;
	v2 =	vsel vm14, $0x801, v2;
	v0 =	vsel vm13, $0x702, v0  }
0x34: {  	v3 =	vsel vm14, $0x901, v3;
	v2 =	vsel vm13, $0x802, v2;
	v0 =	vsel vm12, $0x703, v0  }
0x35: {  	v3 =	vsel vm13, $0x902, v3;
	v2 =	vsel vm12, $0x803, v2;
	v0 =	vsel vm11, $0x704, v0  }
0x36: {  	v3 =	vsel vm12, $0x903, v3;
	v2 =	vsel vm11, $0x804, v2;
	v0 =	vsel vm10, $0x705, v0  }
0x37: {  	v3 =	vsel vm11, $0x904, v3;
	v2 =	vsel vm10, $0x805, v2;
	v0 =	vsel vm9, $0x706, v0  }
0x38: {  	v3 =	vsel vm10, $0x905, v3;
	v2 =	vsel vm9, $0x806, v2;
	v0 =	vsel vm8, $0x707, v0  }
0x39: {  	v3 =	vsel vm9, $0x906, v3;
	v2 =	vsel vm8, $0x807, v2;
	v0 =	vsel vm1, $0x780, v0  }
0x3a: {  	v3 =	vsel vm8, $0x907, v3;
	v2 =	vsel vm1, $0x880, v2;
	v0 =	vsel vm2, $0x781, v0  }
0x3b: {  	v3 =	vsel vm1, $0x980, v3;
	v2 =	vsel vm2, $0x881, v2;
	v0 =	vsel vm3, $0x782, v0  }
0x3c: {  	v3 =	vsel vm2, $0x981, v3;
	v2 =	vsel vm3, $0x882, v2;
	v0 =	vsel vm4, $0x783, v0  }
0x3d: {  	v3 =	vsel vm3, $0x982, v3;
	v2 =	vsel vm4, $0x883, v2;
	v0 =	vsel vm5, $0x784, v0  }
0x3e: {  	v3 =	vsel vm4, $0x983, v3;
	v2 =	vsel vm5, $0x884, v2;
	v0 =	vsel vm6, $0x785, v0  }
0x3f: {  	v16 =	vsel vm7, $0x786, v0;
	v0 =	vsel vm6, $0x885, v2;
	v2 =	vsel vm5, $0x984, v3  }
0x40: {  	v35 =	vor.u32 $0x808, v1;
	v18 =	vsel vm7, $0x886, v0;
	v0 =	vsel vm6, $0x985, v2  }
0x41: {  	v37 =	vor.u32 $0x9, v1;
	v20 =	vsel vm7, $0x986, v0;
	v0 =	vimm.s32 $0xA87  }
0x42: {  	v39 =	vor.u32 $0x809, v1;
	v2 =	vimm.s32 $0xB87;
	v0 =	vsel vm15, $0xA00, v0  }
0x43: {  	v3 =	vimm.s32 $0xC87;
	v2 =	vsel vm15, $0xB00, v2;
	v0 =	vsel vm14, $0xA01, v0  }
0x44: {  	v3 =	vsel vm15, $0xC00, v3;
	v2 =	vsel vm14, $0xB01, v2;
	v0 =	vsel vm13, $0xA02, v0  }
0x45: {  	v3 =	vsel vm14, $0xC01, v3;
	v2 =	vsel vm13, $0xB02, v2;
	v0 =	vsel vm12, $0xA03, v0  }
0x46: {  	v3 =	vsel vm13, $0xC02, v3;
	v2 =	vsel vm12, $0xB03, v2;
	v0 =	vsel vm11, $0xA04, v0  }
0x47: {  	v3 =	vsel vm12, $0xC03, v3;
	v2 =	vsel vm11, $0xB04, v2;
	v0 =	vsel vm10, $0xA05, v0  }
0x48: {  	v3 =	vsel vm11, $0xC04, v3;
	v2 =	vsel vm10, $0xB05, v2;
	v0 =	vsel vm9, $0xA06, v0  }
0x49: {  	v3 =	vsel vm10, $0xC05, v3;
	v2 =	vsel vm9, $0xB06, v2;
	v0 =	vsel vm8, $0xA07, v0  }
0x4a: {  	v3 =	vsel vm9, $0xC06, v3;
	v2 =	vsel vm8, $0xB07, v2;
	v0 =	vsel vm1, $0xA80, v0  }
0x4b: {  	v3 =	vsel vm8, $0xC07, v3;
	v2 =	vsel vm1, $0xB80, v2;
	v0 =	vsel vm2, $0xA81, v0  }
0x4c: {  	v3 =	vsel vm1, $0xC80, v3;
	v2 =	vsel vm2, $0xB81, v2;
	v0 =	vsel vm3, $0xA82, v0  }
0x4d: {  	v3 =	vsel vm2, $0xC81, v3;
	v2 =	vsel vm3, $0xB82, v2;
	v0 =	vsel vm4, $0xA83, v0  }
0x4e: {  	v3 =	vsel vm3, $0xC82, v3;
	v2 =	vsel vm4, $0xB83, v2;
	v0 =	vsel vm5, $0xA84, v0  }
0x4f: {  	v3 =	vsel vm4, $0xC83, v3;
	v2 =	vsel vm5, $0xB84, v2;
	v0 =	vsel vm6, $0xA85, v0  }
0x50: {  	v22 =	vsel vm7, $0xA86, v0;
	v0 =	vsel vm6, $0xB85, v2;
	v2 =	vsel vm5, $0xC84, v3  }
0x51: {  	v41 =	vor.u32 $0xA, v1;
	v24 =	vsel vm7, $0xB86, v0;
	v0 =	vsel vm6, $0xC85, v2  }
0x52: {  	v43 =	vor.u32 $0x80A, v1;
	v26 =	vsel vm7, $0xC86, v0;
	v0 =	vimm.s32 $0xD87  }
0x53: {  	v45 =	vor.u32 $0xB, v1;
	v2 =	vimm.s32 $0xE87;
	v0 =	vsel vm15, $0xD00, v0  }
0x54: {  	v3 =	vimm.s32 $0xF87;
	v2 =	vsel vm15, $0xE00, v2;
	v0 =	vsel vm14, $0xD01, v0  }
0x55: {  	v3 =	vsel vm15, $0xF00, v3;
	v2 =	vsel vm14, $0xE01, v2;
	v0 =	vsel vm13, $0xD02, v0  }
0x56: {  	v3 =	vsel vm14, $0xF01, v3;
	v2 =	vsel vm13, $0xE02, v2;
	v0 =	vsel vm12, $0xD03, v0  }
0x57: {  	v3 =	vsel vm13, $0xF02, v3;
	v2 =	vsel vm12, $0xE03, v2;
	v0 =	vsel vm11, $0xD04, v0  }
0x58: {  	v3 =	vsel vm12, $0xF03, v3;
	v2 =	vsel vm11, $0xE04, v2;
	v0 =	vsel vm10, $0xD05, v0  }
0x59: {  	v3 =	vsel vm11, $0xF04, v3;
	v2 =	vsel vm10, $0xE05, v2;
	v0 =	vsel vm9, $0xD06, v0  }
0x5a: {  	v3 =	vsel vm10, $0xF05, v3;
	v2 =	vsel vm9, $0xE06, v2;
	v0 =	vsel vm8, $0xD07, v0  }
0x5b: {  	v3 =	vsel vm9, $0xF06, v3;
	v2 =	vsel vm8, $0xE07, v2;
	v0 =	vsel vm1, $0xD80, v0  }
0x5c: {  	v3 =	vsel vm8, $0xF07, v3;
	v2 =	vsel vm1, $0xE80, v2;
	v0 =	vsel vm2, $0xD81, v0  }
0x5d: {  	v3 =	vsel vm1, $0xF80, v3;
	v2 =	vsel vm2, $0xE81, v2;
	v0 =	vsel vm3, $0xD82, v0  }
0x5e: {  	v3 =	vsel vm2, $0xF81, v3;
	v2 =	vsel vm3, $0xE82, v2;
	v0 =	vsel vm4, $0xD83, v0  }
0x5f: {  	v3 =	vsel vm3, $0xF82, v3;
	v2 =	vsel vm4, $0xE83, v2;
	v0 =	vsel vm5, $0xD84, v0  }
0x60: {  	v3 =	vsel vm4, $0xF83, v3;
	v2 =	vsel vm5, $0xE84, v2;
	v0 =	vsel vm6, $0xD85, v0  }
0x61: {  	v28 =	vsel vm7, $0xD86, v0;
	v0 =	vsel vm6, $0xE85, v2;
	v2 =	vsel vm5, $0xF84, v3  }
0x62: {  	v4 =	vor.u32 $0xD, v1;
	v30 =	vsel vm7, $0xE86, v0;
	v0 =	vsel vm6, $0xF85, v2  }
0x63: {  	v5 =	vor.u32 $0x80D, v1;
	v32 =	vsel vm7, $0xF86, v0;
	v0 =	vimm.s32 $0x1087  }
0x64: {  	v6 =	vor.u32 $0xE, v1;
	v2 =	vimm.s32 $0x1187;
	v0 =	vsel vm15, $0x1000, v0  }
0x65: {  	v3 =	vimm.s32 $0x1287;
	v2 =	vsel vm15, $0x1100, v2;
	v0 =	vsel vm14, $0x1001, v0  }
0x66: {  	v3 =	vsel vm15, $0x1200, v3;
	v2 =	vsel vm14, $0x1101, v2;
	v0 =	vsel vm13, $0x1002, v0  }
0x67: {  	v3 =	vsel vm14, $0x1201, v3;
	v2 =	vsel vm13, $0x1102, v2;
	v0 =	vsel vm12, $0x1003, v0  }
0x68: {  	v3 =	vsel vm13, $0x1202, v3;
	v2 =	vsel vm12, $0x1103, v2;
	v0 =	vsel vm11, $0x1004, v0  }
0x69: {  	v3 =	vsel vm12, $0x1203, v3;
	v2 =	vsel vm11, $0x1104, v2;
	v0 =	vsel vm10, $0x1005, v0  }
0x6a: {  	v3 =	vsel vm11, $0x1204, v3;
	v2 =	vsel vm10, $0x1105, v2;
	v0 =	vsel vm9, $0x1006, v0  }
0x6b: {  	v3 =	vsel vm10, $0x1205, v3;
	v2 =	vsel vm9, $0x1106, v2;
	v0 =	vsel vm8, $0x1007, v0  }
0x6c: {  	v3 =	vsel vm9, $0x1206, v3;
	v2 =	vsel vm8, $0x1107, v2;
	v0 =	vsel vm1, $0x1080, v0  }
0x6d: {  	v3 =	vsel vm8, $0x1207, v3;
	v2 =	vsel vm1, $0x1180, v2;
	v0 =	vsel vm2, $0x1081, v0  }
0x6e: {  	v3 =	vsel vm1, $0x1280, v3;
	v2 =	vsel vm2, $0x1181, v2;
	v0 =	vsel vm3, $0x1082, v0  }
0x6f: {  	v3 =	vsel vm2, $0x1281, v3;
	v2 =	vsel vm3, $0x1182, v2;
	v0 =	vsel vm4, $0x1083, v0  }
0x70: {  	v3 =	vsel vm3, $0x1282, v3;
	v2 =	vsel vm4, $0x1183, v2;
	v0 =	vsel vm5, $0x1084, v0  }
0x71: {  	v3 =	vsel vm4, $0x1283, v3;
	v2 =	vsel vm5, $0x1184, v2;
	v0 =	vsel vm6, $0x1085, v0  }
0x72: {  	v34 =	vsel vm7, $0x1086, v0;
	v0 =	vsel vm6, $0x1185, v2;
	v2 =	vsel vm5, $0x1284, v3  }
0x73: {  	v7 =	vor.u32 $0x80E, v1;
	v36 =	vsel vm7, $0x1186, v0;
	v0 =	vsel vm6, $0x1285, v2  }
0x74: {  	v8 =	vor.u32 $0xF, v1;
	v38 =	vsel vm7, $0x1286, v0;
	v0 =	vimm.s32 $0x1387  }
0x75: {  	v9 =	vor.u32 $0x80F, v1;
	v2 =	vimm.s32 $0x1487;
	v0 =	vsel vm15, $0x1300, v0  }
0x76: {  	v3 =	vimm.s32 $0x1587;
	v2 =	vsel vm15, $0x1400, v2;
	v0 =	vsel vm14, $0x1301, v0  }
0x77: {  	v3 =	vsel vm15, $0x1500, v3;
	v2 =	vsel vm14, $0x1401, v2;
	v0 =	vsel vm13, $0x1302, v0  }
0x78: {  	v3 =	vsel vm14, $0x1501, v3;
	v2 =	vsel vm13, $0x1402, v2;
	v0 =	vsel vm12, $0x1303, v0  }
0x79: {  	v3 =	vsel vm13, $0x1502, v3;
	v2 =	vsel vm12, $0x1403, v2;
	v0 =	vsel vm11, $0x1304, v0  }
0x7a: {  	v3 =	vsel vm12, $0x1503, v3;
	v2 =	vsel vm11, $0x1404, v2;
	v0 =	vsel vm10, $0x1305, v0  }
0x7b: {  	v3 =	vsel vm11, $0x1504, v3;
	v2 =	vsel vm10, $0x1405, v2;
	v0 =	vsel vm9, $0x1306, v0  }
0x7c: {  	v3 =	vsel vm10, $0x1505, v3;
	v2 =	vsel vm9, $0x1406, v2;
	v0 =	vsel vm8, $0x1307, v0  }
0x7d: {  	v3 =	vsel vm9, $0x1506, v3;
	v2 =	vsel vm8, $0x1407, v2;
	v0 =	vsel vm1, $0x1380, v0  }
0x7e: {  	v3 =	vsel vm8, $0x1507, v3;
	v2 =	vsel vm1, $0x1480, v2;
	v0 =	vsel vm2, $0x1381, v0  }
0x7f: {  	v3 =	vsel vm1, $0x1580, v3;
	v2 =	vsel vm2, $0x1481, v2;
	v0 =	vsel vm3, $0x1382, v0  }
0x80: {  	v3 =	vsel vm2, $0x1581, v3;
	v2 =	vsel vm3, $0x1482, v2;
	v0 =	vsel vm4, $0x1383, v0  }
0x81: {  	v3 =	vsel vm3, $0x1582, v3;
	v2 =	vsel vm4, $0x1483, v2;
	v0 =	vsel vm5, $0x1384, v0  }
0x82: {  	v3 =	vsel vm4, $0x1583, v3;
	v2 =	vsel vm5, $0x1484, v2;
	v0 =	vsel vm6, $0x1385, v0  }
0x83: {  	v40 =	vsel vm7, $0x1386, v0;
	v0 =	vsel vm6, $0x1485, v2;
	v2 =	vsel vm5, $0x1584, v3  }
0x84: {  	v3 =	vimm.s32 $0x1887;
	v42 =	vsel vm7, $0x1486, v0;
	v0 =	vsel vm6, $0x1585, v2  }
0x85: {  	v2 =	vimm.s32 $0x1787;
	v3 =	vsel vm15, $0x1800, v3;
	v44 =	vsel vm7, $0x1586, v0  }
0x86: {  	v0 =	vimm.s32 $0x1687;
	v2 =	vsel vm15, $0x1700, v2;
	v3 =	vsel vm14, $0x1801, v3  }
0x87: {  	v0 =	vsel vm15, $0x1600, v0;
	v2 =	vsel vm14, $0x1701, v2;
	v3 =	vsel vm13, $0x1802, v3  }
0x88: {  	v0 =	vsel vm14, $0x1601, v0;
	v2 =	vsel vm13, $0x1702, v2;
	v3 =	vsel vm12, $0x1803, v3  }
0x89: {  	v0 =	vsel vm13, $0x1602, v0;
	v2 =	vsel vm12, $0x1703, v2;
	v3 =	vsel vm11, $0x1804, v3  }
0x8a: {  	v0 =	vsel vm12, $0x1603, v0;
	v2 =	vsel vm11, $0x1704, v2;
	v3 =	vsel vm10, $0x1805, v3  }
0x8b: {  	v0 =	vsel vm11, $0x1604, v0;
	v2 =	vsel vm10, $0x1705, v2;
	v3 =	vsel vm9, $0x1806, v3  }
0x8c: {  	v0 =	vsel vm10, $0x1605, v0;
	v2 =	vsel vm9, $0x1706, v2;
	v3 =	vsel vm8, $0x1807, v3  }
0x8d: {  	v0 =	vsel vm9, $0x1606, v0;
	v2 =	vsel vm8, $0x1707, v2;
	v3 =	vsel vm1, $0x1880, v3  }
0x8e: {  	v0 =	vsel vm8, $0x1607, v0;
	v2 =	vsel vm1, $0x1780, v2;
	v3 =	vsel vm2, $0x1881, v3  }
0x8f: {  	v0 =	vsel vm1, $0x1680, v0;
	v2 =	vsel vm2, $0x1781, v2;
	v3 =	vsel vm3, $0x1882, v3  }
0x90: {  	v0 =	vsel vm2, $0x1681, v0;
	v2 =	vsel vm3, $0x1782, v2;
	v3 =	vsel vm4, $0x1883, v3  }
0x91: {  	v0 =	vsel vm3, $0x1682, v0;
	v2 =	vsel vm4, $0x1783, v2;
	v3 =	vsel vm5, $0x1884, v3  }
0x92: {  	v0 =	vsel vm4, $0x1683, v0;
	v2 =	vsel vm5, $0x1784, v2;
	v3 =	vsel vm6, $0x1885, v3  }
0x93: {  	v0 =	vsel vm5, $0x1684, v0;
	v2 =	vsel vm6, $0x1785, v2;
	v48 =	vsel vm7, $0x1886, v3  }
0x94: {  	v3 =	vimm.s32 $0x1B87;
	v0 =	vsel vm6, $0x1685, v0;
	v47 =	vsel vm7, $0x1786, v2  }
0x95: {  	v2 =	vimm.s32 $0x1A87;
	v3 =	vsel vm15, $0x1B00, v3;
	v46 =	vsel vm7, $0x1686, v0  }
0x96: {  	v0 =	vimm.s32 $0x1987;
	v2 =	vsel vm15, $0x1A00, v2;
	v3 =	vsel vm14, $0x1B01, v3  }
0x97: {  	v0 =	vsel vm15, $0x1900, v0;
	v2 =	vsel vm14, $0x1A01, v2;
	v3 =	vsel vm13, $0x1B02, v3  }
0x98: {  	v0 =	vsel vm14, $0x1901, v0;
	v2 =	vsel vm13, $0x1A02, v2;
	v3 =	vsel vm12, $0x1B03, v3  }
0x99: {  	v0 =	vsel vm13, $0x1902, v0;
	v2 =	vsel vm12, $0x1A03, v2;
	v3 =	vsel vm11, $0x1B04, v3  }
0x9a: {  	v0 =	vsel vm12, $0x1903, v0;
	v2 =	vsel vm11, $0x1A04, v2;
	v3 =	vsel vm10, $0x1B05, v3  }
0x9b: {  	v0 =	vsel vm11, $0x1904, v0;
	v2 =	vsel vm10, $0x1A05, v2;
	v3 =	vsel vm9, $0x1B06, v3  }
0x9c: {  	v0 =	vsel vm10, $0x1905, v0;
	v2 =	vsel vm9, $0x1A06, v2;
	v3 =	vsel vm8, $0x1B07, v3  }
0x9d: {  	v0 =	vsel vm9, $0x1906, v0;
	v2 =	vsel vm8, $0x1A07, v2;
	v3 =	vsel vm1, $0x1B80, v3  }
0x9e: {  	v0 =	vsel vm8, $0x1907, v0;
	v2 =	vsel vm1, $0x1A80, v2;
	v3 =	vsel vm2, $0x1B81, v3  }
0x9f: {  	v0 =	vsel vm1, $0x1980, v0;
	v2 =	vsel vm2, $0x1A81, v2;
	v3 =	vsel vm3, $0x1B82, v3  }
0xa0: {  	v0 =	vsel vm2, $0x1981, v0;
	v2 =	vsel vm3, $0x1A82, v2;
	v3 =	vsel vm4, $0x1B83, v3  }
0xa1: {  	v0 =	vsel vm3, $0x1982, v0;
	v2 =	vsel vm4, $0x1A83, v2;
	v3 =	vsel vm5, $0x1B84, v3  }
0xa2: {  	v0 =	vsel vm4, $0x1983, v0;
	v2 =	vsel vm5, $0x1A84, v2;
	v3 =	vsel vm6, $0x1B85, v3  }
0xa3: {  	v0 =	vsel vm5, $0x1984, v0;
	v2 =	vsel vm6, $0x1A85, v2;
	v51 =	vsel vm7, $0x1B86, v3  }
0xa4: {  	v3 =	vimm.s32 $0x1E87;
	v0 =	vsel vm6, $0x1985, v0;
	v50 =	vsel vm7, $0x1A86, v2  }
0xa5: {  	v2 =	vimm.s32 $0x1D87;
	v3 =	vsel vm15, $0x1E00, v3;
	v49 =	vsel vm7, $0x1986, v0  }
0xa6: {  	v0 =	vimm.s32 $0x1C87;
	v2 =	vsel vm15, $0x1D00, v2;
	v3 =	vsel vm14, $0x1E01, v3  }
0xa7: {  	v0 =	vsel vm15, $0x1C00, v0;
	v2 =	vsel vm14, $0x1D01, v2;
	v3 =	vsel vm13, $0x1E02, v3  }
0xa8: {  	v0 =	vsel vm14, $0x1C01, v0;
	v2 =	vsel vm13, $0x1D02, v2;
	v3 =	vsel vm12, $0x1E03, v3  }
0xa9: {  	v0 =	vsel vm13, $0x1C02, v0;
	v2 =	vsel vm12, $0x1D03, v2;
	v3 =	vsel vm11, $0x1E04, v3  }
0xaa: {  	v0 =	vsel vm12, $0x1C03, v0;
	v2 =	vsel vm11, $0x1D04, v2;
	v3 =	vsel vm10, $0x1E05, v3  }
0xab: {  	v0 =	vsel vm11, $0x1C04, v0;
	v2 =	vsel vm10, $0x1D05, v2;
	v3 =	vsel vm9, $0x1E06, v3  }
0xac: {  	v0 =	vsel vm10, $0x1C05, v0;
	v2 =	vsel vm9, $0x1D06, v2;
	v3 =	vsel vm8, $0x1E07, v3  }
0xad: {  	v0 =	vsel vm9, $0x1C06, v0;
	v2 =	vsel vm8, $0x1D07, v2;
	v3 =	vsel vm1, $0x1E80, v3  }
0xae: {  	v0 =	vsel vm8, $0x1C07, v0;
	v2 =	vsel vm1, $0x1D80, v2;
	v3 =	vsel vm2, $0x1E81, v3  }
0xaf: {  	v0 =	vsel vm1, $0x1C80, v0;
	v2 =	vsel vm2, $0x1D81, v2;
	v3 =	vsel vm3, $0x1E82, v3  }
0xb0: {  	v0 =	vsel vm2, $0x1C81, v0;
	v2 =	vsel vm3, $0x1D82, v2;
	v3 =	vsel vm4, $0x1E83, v3  }
0xb1: {  	v0 =	vsel vm3, $0x1C82, v0;
	v2 =	vsel vm4, $0x1D83, v2;
	v3 =	vsel vm5, $0x1E84, v3  }
0xb2: {  	v0 =	vsel vm4, $0x1C83, v0;
	v2 =	vsel vm5, $0x1D84, v2;
	v3 =	vsel vm6, $0x1E85, v3  }
0xb3: {  	v0 =	vsel vm5, $0x1C84, v0;
	v2 =	vsel vm6, $0x1D85, v2;
	v54 =	vsel vm7, $0x1E86, v3  }
0xb4: {  	v3 =	vimm.s32 $0x2187;
	v0 =	vsel vm6, $0x1C85, v0;
	v53 =	vsel vm7, $0x1D86, v2  }
0xb5: {  	v2 =	vimm.s32 $0x2087;
	v3 =	vsel vm15, $0x2100, v3;
	v52 =	vsel vm7, $0x1C86, v0  }
0xb6: {  	v0 =	vimm.s32 $0x1F87;
	v2 =	vsel vm15, $0x2000, v2;
	v3 =	vsel vm14, $0x2101, v3  }
0xb7: {  	v0 =	vsel vm15, $0x1F00, v0;
	v2 =	vsel vm14, $0x2001, v2;
	v3 =	vsel vm13, $0x2102, v3  }
0xb8: {  	v0 =	vsel vm14, $0x1F01, v0;
	v2 =	vsel vm13, $0x2002, v2;
	v3 =	vsel vm12, $0x2103, v3  }
0xb9: {  	v0 =	vsel vm13, $0x1F02, v0;
	v2 =	vsel vm12, $0x2003, v2;
	v3 =	vsel vm11, $0x2104, v3  }
0xba: {  	v0 =	vsel vm12, $0x1F03, v0;
	v2 =	vsel vm11, $0x2004, v2;
	v3 =	vsel vm10, $0x2105, v3  }
0xbb: {  	v0 =	vsel vm11, $0x1F04, v0;
	v2 =	vsel vm10, $0x2005, v2;
	v3 =	vsel vm9, $0x2106, v3  }
0xbc: {  	v0 =	vsel vm10, $0x1F05, v0;
	v2 =	vsel vm9, $0x2006, v2;
	v3 =	vsel vm8, $0x2107, v3  }
0xbd: {  	v0 =	vsel vm9, $0x1F06, v0;
	v2 =	vsel vm8, $0x2007, v2;
	v3 =	vsel vm1, $0x2180, v3  }
0xbe: {  	v0 =	vsel vm8, $0x1F07, v0;
	v2 =	vsel vm1, $0x2080, v2;
	v3 =	vsel vm2, $0x2181, v3  }
0xbf: {  	v0 =	vsel vm1, $0x1F80, v0;
	v2 =	vsel vm2, $0x2081, v2;
	v3 =	vsel vm3, $0x2182, v3  }
0xc0: {  	v0 =	vsel vm2, $0x1F81, v0;
	v2 =	vsel vm3, $0x2082, v2;
	v3 =	vsel vm4, $0x2183, v3  }
0xc1: {  	v0 =	vsel vm3, $0x1F82, v0;
	v2 =	vsel vm4, $0x2083, v2;
	v3 =	vsel vm5, $0x2184, v3  }
0xc2: {  	v0 =	vsel vm4, $0x1F83, v0;
	v2 =	vsel vm5, $0x2084, v2;
	v3 =	vsel vm6, $0x2185, v3  }
0xc3: {  	v0 =	vsel vm5, $0x1F84, v0;
	v2 =	vsel vm6, $0x2085, v2;
	v57 =	vsel vm7, $0x2186, v3  }
0xc4: {  	v3 =	vimm.s32 $0x2487;
	v0 =	vsel vm6, $0x1F85, v0;
	v56 =	vsel vm7, $0x2086, v2  }
0xc5: {  	v2 =	vimm.s32 $0x2387;
	v3 =	vsel vm15, $0x2400, v3;
	v55 =	vsel vm7, $0x1F86, v0  }
0xc6: {  	v0 =	vimm.s32 $0x2287;
	v2 =	vsel vm15, $0x2300, v2;
	v3 =	vsel vm14, $0x2401, v3  }
0xc7: {  	v0 =	vsel vm15, $0x2200, v0;
	v2 =	vsel vm14, $0x2301, v2;
	v3 =	vsel vm13, $0x2402, v3  }
0xc8: {  	s23 =	rddreg [dreg:$0x0];
	v0 =	vsel vm14, $0x2201, v0;
	v2 =	vsel vm13, $0x2302, v2;
	v3 =	vsel vm12, $0x2403, v3  }
0xc9: {  	s1 =	srdreg.scid;
	s2 =	rddreg [dreg:$0x1];
	v0 =	vsel vm13, $0x2202, v0;
	v2 =	vsel vm12, $0x2303, v2;
	v3 =	vsel vm11, $0x2404, v3  }
0xca: {  	s4 =	stileid.u32;
	s3 =	rddreg [dreg:$0x2];
	v0 =	vsel vm12, $0x2203, v0;
	v2 =	vsel vm11, $0x2304, v2;
	v3 =	vsel vm10, $0x2405, v3  }
0xcb: {  	s16 =	simm.s32 $0x14000;
	s17 =	simm.s32 $0x14800;
	s18 =	simm.s32 $0x15000;
	v0 =	vsel vm11, $0x2204, v0;
	v2 =	vsel vm10, $0x2305, v2;
	v3 =	vsel vm9, $0x2406, v3  }
0xcc: {  	s19 =	simm.s32 $0x15800;
	s20 =	simm.s32 $0x16000;
	s1 =	sand.u32 $0x1, s1;
	v0 =	vsel vm10, $0x2205, v0;
	v2 =	vsel vm9, $0x2306, v2;
	v3 =	vsel vm8, $0x2407, v3  }
0xcd: {  	s21 =	simm.s32 $0x16800;
	s5 =	sshll.u32 s4, $0x6;
	s6 =	sshll.u32 s1, $0x5;
	v0 =	vsel vm9, $0x2206, v0;
	v2 =	vsel vm8, $0x2307, v2;
	v3 =	vsel vm1, $0x2480, v3  }
0xce: {  	s22 =	simm.s32 $0x17000;
	s24 =	simm.s32 $0x17800;
	s0 =	sor.u32 s6, s5;
	v0 =	vsel vm8, $0x2207, v0;
	v2 =	vsel vm1, $0x2380, v2;
	v3 =	vsel vm2, $0x2481, v3  }
0xcf: {  	s25 =	simm.s32 $0x18000;
	s31 =	simm.s32 $0x4800;
	s6 =	sshll.u32 s0, $0x4;
	v0 =	vsel vm1, $0x2280, v0;
	v2 =	vsel vm2, $0x2381, v2;
	v3 =	vsel vm3, $0x2482, v3  }
0xd0: {  	s28 =	simm.s32 $0x6000;
	s4 =	simm.s32 $0x0;
	s2 =	sadd.s32 s6, s2;
	v0 =	vsel vm2, $0x2281, v0;
	v2 =	vsel vm3, $0x2382, v2;
	v3 =	vsel vm4, $0x2483, v3  }
0xd1: {  	s29 =	simm.s32 $0x6800;
	[smem:$0x7FF] =	sst s4;
	s2 =	sadd.s32 $0x400, s2;
	v0 =	vsel vm3, $0x2282, v0;
	v2 =	vsel vm4, $0x2383, v2;
	v3 =	vsel vm5, $0x2484, v3  }
0xd2: {  	s30 =	simm.s32 $0x3;
	_ =	strace $0x80000047;
	[dreg:$0x13] =	wrdreg s2;
	v0 =	vsel vm4, $0x2283, v0;
	v2 =	vsel vm5, $0x2384, v2;
	v3 =	vsel vm6, $0x2485, v3  }
0xd3: {  	s7 =	sadd.s32 $0x200, s23;
	s8 =	sadd.s32 $0x300, s23;
	[dreg:$0x4] =	wrdreg s16;
	v0 =	vsel vm5, $0x2284, v0;
	v2 =	vsel vm6, $0x2385, v2;
	v60 =	vsel vm7, $0x2486, v3  }
0xd4: {  	s9 =	sadd.s32 $0x400, s23;
	s10 =	sadd.s32 $0x500, s23;
	[dreg:$0x5] =	wrdreg s17;
	v3 =	vimm.s32 $0x2787;
	v0 =	vsel vm6, $0x2285, v0;
	v59 =	vsel vm7, $0x2386, v2  }
0xd5: {  	s11 =	sadd.s32 $0x600, s23;
	s12 =	sadd.s32 $0x700, s23;
	[dreg:$0x6] =	wrdreg s18;
	v2 =	vimm.s32 $0x2687;
	v3 =	vsel vm15, $0x2700, v3;
	v58 =	vsel vm7, $0x2286, v0  }
0xd6: {  	s13 =	sadd.s32 $0x800, s23;
	s1 =	ssub.s32 $0x2, s1;
	[dreg:$0x7] =	wrdreg s19;
	v0 =	vimm.s32 $0x2587;
	v2 =	vsel vm15, $0x2600, v2;
	v3 =	vsel vm14, $0x2701, v3  }
0xd7: {  	s14 =	sadd.s32 $0x900, s23;
	s15 =	sshrl.u32 s1, $0x1;
	[dreg:$0x8] =	wrdreg s20;
	v0 =	vsel vm15, $0x2500, v0;
	v2 =	vsel vm14, $0x2601, v2;
	v3 =	vsel vm13, $0x2702, v3  }
0xd8: {  	s5 =	sadd.s32 $0x100, s23;
	s26 =	sshrl.u32 s0, $0x3;
	[dreg:$0x9] =	wrdreg s21;
	v0 =	vsel vm14, $0x2501, v0;
	v2 =	vsel vm13, $0x2602, v2;
	v3 =	vsel vm12, $0x2703, v3  }
0xd9: {  	s1 =	ssub.s32 s1, s15;
	s6 =	smul.u32 $0xA0000, s26;
	[dreg:$0xa] =	wrdreg s22;
	v0 =	vsel vm13, $0x2502, v0;
	v2 =	vsel vm12, $0x2603, v2;
	v3 =	vsel vm11, $0x2704, v3  }
0xda: {  	s15 =	sadd.s32 $0xA00, s23;
	s26 =	simm.s32 $0x1B000;
	[dreg:$0xb] =	wrdreg s24;
	v0 =	vsel vm12, $0x2503, v0;
	v2 =	vsel vm11, $0x2604, v2;
	v3 =	vsel vm10, $0x2705, v3  }
0xdb: {  	s1 =	smax.u32 s1, $0x1;
	s6 =	sshrl.u32 s6, $0x3;
	[dreg:$0x17] =	wrdreg s0;
	v0 =	vsel vm11, $0x2504, v0;
	v2 =	vsel vm10, $0x2605, v2;
	v3 =	vsel vm9, $0x2706, v3  }
0xdc: {  	s6 =	sadd.s32 s3, s6;
	s16 =	sadd.s32 $0xB00, s23;
	[dreg:$0xc] =	wrdreg s25;
	v0 =	vsel vm10, $0x2505, v0;
	v2 =	vsel vm9, $0x2606, v2;
	v3 =	vsel vm8, $0x2707, v3  }
0xdd: {  	s17 =	sadd.s32 $0xC00, s23;
	s18 =	sadd.s32 $0xD00, s23;
	[dreg:$0x16] =	wrdreg s1;
	v0 =	vsel vm9, $0x2506, v0;
	v2 =	vsel vm8, $0x2607, v2;
	v3 =	vsel vm1, $0x2780, v3  }
0xde: {  	s21 =	sadd.s32 $0xE00, s23;
	s0 =	simm.s32 $0x18800;
	[dreg:$0x12] =	wrdreg s26;
	v0 =	vsel vm8, $0x2507, v0;
	v2 =	vsel vm1, $0x2680, v2;
	v3 =	vsel vm2, $0x2781, v3  }
0xdf: {  	s19 =	simm.s32 $0x19000;
	s20 =	sadd.s32 $0xF00, s23;
	[dreg:$0xd] =	wrdreg s0;
	v0 =	vsel vm1, $0x2580, v0;
	v2 =	vsel vm2, $0x2681, v2;
	v3 =	vsel vm3, $0x2782, v3  }
0xe0: {  	s22 =	simm.s32 $0x19800;
	s24 =	simm.s32 $0x1A000;
	[dreg:$0xe] =	wrdreg s19;
	v0 =	vsel vm2, $0x2581, v0;
	v2 =	vsel vm3, $0x2682, v2;
	v3 =	vsel vm4, $0x2783, v3  }
0xe1: {  	s25 =	simm.s32 $0x1A800;
	s1 =	simm.s32 $0x3800;
	[dreg:$0xf] =	wrdreg s22;
	v0 =	vsel vm3, $0x2582, v0;
	v2 =	vsel vm4, $0x2683, v2;
	v3 =	vsel vm5, $0x2784, v3  }
0xe2: {  	s26 =	simm.s32 $0xB800;
	s2 =	simm.s32 $0x4000;
	[dreg:$0x10] =	wrdreg s24;
	v0 =	vsel vm4, $0x2583, v0;
	v2 =	vsel vm5, $0x2684, v2;
	v3 =	vsel vm6, $0x2785, v3  }
0xe3: {  	s22 =	sadd.s32 $0x3B000, s6;
	[dreg:$0x11] =	wrdreg s25;
	s6 =	sadd.s32 $0x4F000, s6;
	v0 =	vsel vm5, $0x2584, v0;
	v2 =	vsel vm6, $0x2685, v2;
	v63 =	vsel vm7, $0x2786, v3  }
0xe4: {  	s0 =	simm.s32 $0x5000;
	s25 =	simm.s32 $0x5800;
	[dreg:$0x14] =	wrdreg s22;
	v3 =	vor.u32 $0x80C, v1;
	v0 =	vsel vm6, $0x2585, v0;
	v62 =	vsel vm7, $0x2686, v2  }
0xe5: {  	s24 =	simm.s32 $0x13800;
	[dreg:$0x15] =	wrdreg s6;
	s6 =	simm.s32 $0x0;
	v2 =	vor.u32 $0xC, v1;
	v61 =	vsel vm7, $0x2586, v0;
	v0 =	vor.u32 $0x80B, v1  }
.LBB2_1:
0xe6: {  	[dreg:$0x18] =	wrdreg s6  }
0xe7: {  	s22 =	rddreg [dreg:$0x13];
	s6 =	simm.s32 $0x7  }
0xe8: {  	[tilespmem:s4], [sflag:$0x7] =	stream.linear.gather [hbm4b:s22+s4], $0x1000, $0x38;
	[tilespmem:$0x1B800] =	vst v63  }
0xe9: {  	_ =	swait.ge [sflag:s6], $0x1000  }
0xea: {  	v11 =	vld [tilespmem:$0x1FF40]  }
0xeb: {  	[sflag:s6] =	ssyncset.done $0x0  }
0xec: {  	[sflag:s6] =	ssyncadd.s32 $0xFFFFF000  }
0xed: {  	v10 =	vld.idx.msk [tilespmem:v1+s4+$0x0], $0xffff;
	_ =	sdelay $0x3  }
0xee: {  	s19 =	simm.s32 $0x1000  }
0xef: {  	[tilespmem:v11+s19+$0x0] =	vst.idx.msk $0xffff, v10;
	v10 =	vld [tilespmem:$0x1FF50];
	_ =	sdelay $0x4  }
0xf0: {  	v11 =	vld [tilespmem:$0x1FF60];
	_ =	sdelay $0x2  }
0xf1: {  	v10 =	vld.idx.msk [tilespmem:v10+s4+$0x0], $0xffff;
	_ =	sdelay $0x4  }
0xf2: {  	[tilespmem:v11+s19+$0x0] =	vst.idx.msk $0xffff, v10;
	v10 =	vld [tilespmem:$0x1FF70];
	_ =	sdelay $0x4  }
0xf3: {  	v11 =	vld [tilespmem:$0x1FF80];
	_ =	sdelay $0x2  }
0xf4: {  	v10 =	vld.idx.msk [tilespmem:v10+s4+$0x0], $0xffff;
	_ =	sdelay $0x4  }
0xf5: {  	[tilespmem:v11+s19+$0x0] =	vst.idx.msk $0xffff, v10;
	v10 =	vld [tilespmem:$0x1FF90];
	_ =	sdelay $0x4  }
0xf6: {  	v11 =	vld [tilespmem:$0x1FFA0];
	_ =	sdelay $0x2  }
0xf7: {  	v10 =	vld.idx.msk [tilespmem:v10+s4+$0x0], $0xffff;
	_ =	sdelay $0x4  }
0xf8: {  	[tilespmem:v11+s19+$0x0] =	vst.idx.msk $0xffff, v10;
	v10 =	vld [tilespmem:$0x1FFB0];
	_ =	sdelay $0x4  }
0xf9: {  	v11 =	vld [tilespmem:$0x1FFC0];
	_ =	sdelay $0x2  }
0xfa: {  	v10 =	vld.idx.msk [tilespmem:v10+s4+$0x0], $0xffff;
	_ =	sdelay $0x4  }
0xfb: {  	[tilespmem:v11+s19+$0x0] =	vst.idx.msk $0xffff, v10;
	v10 =	vld [tilespmem:$0x1FFD0];
	_ =	sdelay $0x4  }
0xfc: {  	v11 =	vld [tilespmem:$0x1FFE0];
	_ =	sdelay $0x2  }
0xfd: {  	v10 =	vld.idx.msk [tilespmem:v10+s4+$0x0], $0xffff;
	_ =	sdelay $0x4  }
0xfe: {  	[tilespmem:v11+s19+$0x0] =	vst.idx.msk $0xffff, v10;
	v10 =	vld [tilespmem:$0x1FFF0];
	_ =	sdelay $0x7  }
0xff: {  	v10 =	vld.idx.msk [tilespmem:v10+s4+$0x0], $0xffff;
	_ =	sdelay $0x4  }
0x100: {  	[tilespmem:v14+s19+$0x0] =	vst.idx.msk $0xffff, v10  }
0x101: {  	v10 =	vld.idx.msk [tilespmem:v15+s4+$0x0], $0xffff;
	_ =	sdelay $0x4  }
0x102: {  	[tilespmem:v16+s19+$0x0] =	vst.idx.msk $0xffff, v10  }
0x103: {  	v10 =	vld.idx.msk [tilespmem:v17+s4+$0x0], $0xffff;
	_ =	sdelay $0x4  }
0x104: {  	[tilespmem:v18+s19+$0x0] =	vst.idx.msk $0xffff, v10  }
0x105: {  	v10 =	vld.idx.msk [tilespmem:v19+s4+$0x0], $0xffff;
	_ =	sdelay $0x4  }
0x106: {  	[tilespmem:v20+s19+$0x0] =	vst.idx.msk $0xffff, v10  }
0x107: {  	v10 =	vld.idx.msk [tilespmem:v21+s4+$0x0], $0xffff;
	_ =	sdelay $0x4  }
0x108: {  	[tilespmem:v22+s19+$0x0] =	vst.idx.msk $0xffff, v10  }
0x109: {  	v10 =	vld.idx.msk [tilespmem:v23+s4+$0x0], $0xffff;
	_ =	sdelay $0x4  }
0x10a: {  	[tilespmem:v24+s19+$0x0] =	vst.idx.msk $0xffff, v10  }
0x10b: {  	v10 =	vld.idx.msk [tilespmem:v25+s4+$0x0], $0xffff;
	_ =	sdelay $0x4  }
0x10c: {  	[tilespmem:v26+s19+$0x0] =	vst.idx.msk $0xffff, v10  }
0x10d: {  	v10 =	vld.idx.msk [tilespmem:v27+s4+$0x0], $0xffff;
	_ =	sdelay $0x4  }
0x10e: {  	[tilespmem:v28+s19+$0x0] =	vst.idx.msk $0xffff, v10  }
0x10f: {  	v10 =	vld.idx.msk [tilespmem:v29+s4+$0x0], $0xffff;
	_ =	sdelay $0x4  }
0x110: {  	[tilespmem:v30+s19+$0x0] =	vst.idx.msk $0xffff, v10  }
0x111: {  	v10 =	vld.idx.msk [tilespmem:v31+s4+$0x0], $0xffff;
	_ =	sdelay $0x4  }
0x112: {  	[tilespmem:v32+s19+$0x0] =	vst.idx.msk $0xffff, v10  }
0x113: {  	v10 =	vld.idx.msk [tilespmem:v33+s4+$0x0], $0xffff;
	_ =	sdelay $0x4  }
0x114: {  	[tilespmem:v34+s19+$0x0] =	vst.idx.msk $0xffff, v10  }
0x115: {  	v10 =	vld.idx.msk [tilespmem:v35+s4+$0x0], $0xffff;
	_ =	sdelay $0x4  }
0x116: {  	[tilespmem:v36+s19+$0x0] =	vst.idx.msk $0xffff, v10  }
0x117: {  	v10 =	vld.idx.msk [tilespmem:v37+s4+$0x0], $0xffff;
	_ =	sdelay $0x4  }
0x118: {  	[tilespmem:v38+s19+$0x0] =	vst.idx.msk $0xffff, v10  }
0x119: {  	v10 =	vld.idx.msk [tilespmem:v39+s4+$0x0], $0xffff;
	_ =	sdelay $0x4  }
0x11a: {  	[tilespmem:v40+s19+$0x0] =	vst.idx.msk $0xffff, v10  }
0x11b: {  	v10 =	vld.idx.msk [tilespmem:v41+s4+$0x0], $0xffff;
	_ =	sdelay $0x4  }
0x11c: {  	[tilespmem:v42+s19+$0x0] =	vst.idx.msk $0xffff, v10  }
0x11d: {  	v10 =	vld.idx.msk [tilespmem:v43+s4+$0x0], $0xffff;
	_ =	sdelay $0x4  }
0x11e: {  	[tilespmem:v44+s19+$0x0] =	vst.idx.msk $0xffff, v10  }
0x11f: {  	v10 =	vld.idx.msk [tilespmem:v45+s4+$0x0], $0xffff;
	_ =	sdelay $0x4  }
0x120: {  	[tilespmem:v46+s19+$0x0] =	vst.idx.msk $0xffff, v10  }
0x121: {  	v10 =	vld.idx.msk [tilespmem:v0+s4+$0x0], $0xffff;
	_ =	sdelay $0x4  }
0x122: {  	[tilespmem:v47+s19+$0x0] =	vst.idx.msk $0xffff, v10  }
0x123: {  	v10 =	vld.idx.msk [tilespmem:v2+s4+$0x0], $0xffff;
	_ =	sdelay $0x4  }
0x124: {  	[tilespmem:v48+s19+$0x0] =	vst.idx.msk $0xffff, v10  }
0x125: {  	v10 =	vld.idx.msk [tilespmem:v3+s4+$0x0], $0xffff;
	_ =	sdelay $0x4  }
0x126: {  	[tilespmem:v49+s19+$0x0] =	vst.idx.msk $0xffff, v10  }
0x127: {  	v10 =	vld.idx.msk [tilespmem:v4+s4+$0x0], $0xffff;
	_ =	sdelay $0x4  }
0x128: {  	[tilespmem:v50+s19+$0x0] =	vst.idx.msk $0xffff, v10  }
0x129: {  	v10 =	vld.idx.msk [tilespmem:v5+s4+$0x0], $0xffff;
	_ =	sdelay $0x4  }
0x12a: {  	[tilespmem:v51+s19+$0x0] =	vst.idx.msk $0xffff, v10  }
0x12b: {  	v10 =	vld.idx.msk [tilespmem:v6+s4+$0x0], $0xffff;
	_ =	sdelay $0x4  }
0x12c: {  	[tilespmem:v52+s19+$0x0] =	vst.idx.msk $0xffff, v10  }
0x12d: {  	v10 =	vld.idx.msk [tilespmem:v7+s4+$0x0], $0xffff;
	_ =	sdelay $0x4  }
0x12e: {  	[tilespmem:v53+s19+$0x0] =	vst.idx.msk $0xffff, v10  }
0x12f: {  	v10 =	vld.idx.msk [tilespmem:v8+s4+$0x0], $0xffff;
	_ =	sdelay $0x4  }
0x130: {  	[tilespmem:v54+s19+$0x0] =	vst.idx.msk $0xffff, v10  }
0x131: {  	v10 =	vld.idx.msk [tilespmem:v9+s4+$0x0], $0xffff  }
0x132: {  	v11 =	vor.u32 $0x10, v1;
	_ =	sdelay $0x3  }
0x133: {  	[tilespmem:v55+s19+$0x0] =	vst.idx.msk $0xffff, v10  }
0x134: {  	v10 =	vld.idx.msk [tilespmem:v11+s4+$0x0], $0xffff  }
0x135: {  	v11 =	vor.u32 $0x810, v1;
	_ =	sdelay $0x3  }
0x136: {  	[tilespmem:v56+s19+$0x0] =	vst.idx.msk $0xffff, v10  }
0x137: {  	v10 =	vld.idx.msk [tilespmem:v11+s4+$0x0], $0xffff  }
0x138: {  	v11 =	vor.u32 $0x11, v1;
	_ =	sdelay $0x3  }
0x139: {  	[tilespmem:v57+s19+$0x0] =	vst.idx.msk $0xffff, v10  }
0x13a: {  	v10 =	vld.idx.msk [tilespmem:v11+s4+$0x0], $0xffff  }
0x13b: {  	v11 =	vor.u32 $0x811, v1;
	_ =	sdelay $0x3  }
0x13c: {  	[tilespmem:v58+s19+$0x0] =	vst.idx.msk $0xffff, v10  }
0x13d: {  	v10 =	vld.idx.msk [tilespmem:v11+s4+$0x0], $0xffff  }
0x13e: {  	v11 =	vor.u32 $0x12, v1;
	_ =	sdelay $0x3  }
0x13f: {  	[tilespmem:v59+s19+$0x0] =	vst.idx.msk $0xffff, v10  }
0x140: {  	v10 =	vld.idx.msk [tilespmem:v11+s4+$0x0], $0xffff  }
0x141: {  	v11 =	vor.u32 $0x812, v1;
	_ =	sdelay $0x3  }
0x142: {  	[tilespmem:v60+s19+$0x0] =	vst.idx.msk $0xffff, v10  }
0x143: {  	v10 =	vld.idx.msk [tilespmem:v11+s4+$0x0], $0xffff  }
0x144: {  	v11 =	vor.u32 $0x13, v1;
	_ =	sdelay $0x3  }
0x145: {  	[tilespmem:v61+s19+$0x0] =	vst.idx.msk $0xffff, v10  }
0x146: {  	v10 =	vld.idx.msk [tilespmem:v11+s4+$0x0], $0xffff  }
0x147: {  	v11 =	vor.u32 $0x813, v1;
	_ =	sdelay $0x3  }
0x148: {  	[tilespmem:v62+s19+$0x0] =	vst.idx.msk $0xffff, v10  }
0x149: {  	v10 =	vld.idx.msk [tilespmem:v11+s4+$0x0], $0xffff;
	_ =	sdelay $0x4  }
0x14a: {  	[tilespmem:v63+s19+$0x0] =	vst.idx.msk $0xffff, v10  }
0x14b: {  	v10 =	vld.msk [tilespmem:$0x1000], $0xff;
	_ =	sdelay $0x4  }
0x14c: {  	v11 =	vshll.u32 v10, $0x5  }
0x14d: {  	v12 =	vlaneseq.u32;
	v10 =	vand.u32 $0x7, v10;
	v11 =	vand.u32 $0xFFFFFF00, v11  }
0x14e: {  	v11 =	vor.u32 v10, v11;
	v10 =	vand.u32 $0x7, v12;
	v12 =	vshrl.u32 v12, $0x3  }
0x14f: {  	v13 =	vperm.xlane v11, v10;
	v11 =	vmul.u32 $0x8, v12;
	_ =	sdelay $0x1  }
0x150: {  	v12 =	vadd.s32 v11, v13;
	_ =	sdelay $0x4  }
0x151: {  	[tilespmem:s1], [sflag:$0x1] =	stream.indirect_vreg.gather [hbm4b:s23+s4], $0x80, v12, vm0, $0xb8;
	[tilespmem:$0x1B800] =	vst v63  }
0x152: {  	_ = 	snop  }
0x153: {  	[tilespmem:s2], [sflag:$0x1] =	stream.indirect_vreg.gather [hbm4b:s5+s4], $0x80, v12, vm0, $0xb8;
	[tilespmem:$0x1B800] =	vst v63  }
0x154: {  	_ = 	snop  }
0x155: {  	[tilespmem:s31], [sflag:$0x1] =	stream.indirect_vreg.gather [hbm4b:s7+s4], $0x80, v12, vm0, $0xb8;
	[tilespmem:$0x1B800] =	vst v63  }
0x156: {  	_ = 	snop  }
0x157: {  	[tilespmem:s0], [sflag:$0x1] =	stream.indirect_vreg.gather [hbm4b:s8+s4], $0x80, v12, vm0, $0xb8;
	[tilespmem:$0x1B800] =	vst v63  }
0x158: {  	_ = 	snop  }
0x159: {  	[tilespmem:s25], [sflag:$0x1] =	stream.indirect_vreg.gather [hbm4b:s9+s4], $0x80, v12, vm0, $0xb8;
	[tilespmem:$0x1B800] =	vst v63  }
0x15a: {  	_ = 	snop  }
0x15b: {  	[tilespmem:s28], [sflag:$0x1] =	stream.indirect_vreg.gather [hbm4b:s10+s4], $0x80, v12, vm0, $0xb8;
	[tilespmem:$0x1B800] =	vst v63  }
0x15c: {  	_ = 	snop  }
0x15d: {  	[tilespmem:s29], [sflag:$0x1] =	stream.indirect_vreg.gather [hbm4b:s11+s4], $0x80, v12, vm0, $0xb8;
	[tilespmem:$0x1B800] =	vst v63  }
0x15e: {  	s6 =	simm.s32 $0x7000  }
0x15f: {  	[tilespmem:s6], [sflag:$0x1] =	stream.indirect_vreg.gather [hbm4b:s12+s4], $0x80, v12, vm0, $0xb8;
	[tilespmem:$0x1B800] =	vst v63  }
0x160: {  	s19 =	simm.s32 $0x7800  }
0x161: {  	[tilespmem:s19], [sflag:$0x1] =	stream.indirect_vreg.gather [hbm4b:s13+s4], $0x80, v12, vm0, $0xb8;
	[tilespmem:$0x1B800] =	vst v63  }
0x162: {  	s22 =	simm.s32 $0x8000  }
0x163: {  	[tilespmem:s22], [sflag:$0x1] =	stream.indirect_vreg.gather [hbm4b:s14+s4], $0x80, v12, vm0, $0xb8;
	[tilespmem:$0x1B800] =	vst v63  }
0x164: {  	s25 =	simm.s32 $0x8800  }
0x165: {  	[tilespmem:s25], [sflag:$0x1] =	stream.indirect_vreg.gather [hbm4b:s15+s4], $0x80, v12, vm0, $0xb8;
	[tilespmem:$0x1B800] =	vst v63  }
0x166: {  	s28 =	simm.s32 $0x9000  }
0x167: {  	[tilespmem:s28], [sflag:$0x1] =	stream.indirect_vreg.gather [hbm4b:s16+s4], $0x80, v12, vm0, $0xb8;
	[tilespmem:$0x1B800] =	vst v63  }
0x168: {  	s31 =	simm.s32 $0x9800  }
0x169: {  	[tilespmem:s31], [sflag:$0x1] =	stream.indirect_vreg.gather [hbm4b:s17+s4], $0x80, v12, vm0, $0xb8;
	[tilespmem:$0x1B800] =	vst v63  }
0x16a: {  	s1 =	simm.s32 $0xA000  }
0x16b: {  	[tilespmem:s1], [sflag:$0x1] =	stream.indirect_vreg.gather [hbm4b:s18+s4], $0x80, v12, vm0, $0xb8;
	[tilespmem:$0x1B800] =	vst v63  }
0x16c: {  	s2 =	simm.s32 $0xA800  }
0x16d: {  	[tilespmem:s2], [sflag:$0x1] =	stream.indirect_vreg.gather [hbm4b:s21+s4], $0x80, v12, vm0, $0xb8;
	[tilespmem:$0x1B800] =	vst v63  }
0x16e: {  	s6 =	simm.s32 $0xB000  }
0x16f: {  	[tilespmem:s6], [sflag:$0x1] =	stream.indirect_vreg.gather [hbm4b:s20+s4], $0x80, v12, vm0, $0xb8;
	[tilespmem:$0x1B800] =	vst v63  }
0x170: {  	v12 =	vld.msk [tilespmem:$0x1080], $0xff;
	_ =	sdelay $0x4  }
0x171: {  	v13 =	vshll.u32 v12, $0x5  }
0x172: {  	v12 =	vand.u32 $0x7, v12;
	v13 =	vand.u32 $0xFFFFFF00, v13  }
0x173: {  	v12 =	vor.u32 v12, v13  }
0x174: {  	v12 =	vperm.xlane v12, v10;
	_ =	sdelay $0x1  }
0x175: {  	v12 =	vadd.s32 v11, v12;
	_ =	sdelay $0x4  }
0x176: {  	[tilespmem:s26], [sflag:$0x2] =	stream.indirect_vreg.gather [hbm4b:s23+s4], $0x80, v12, vm0, $0xb8;
	[tilespmem:$0x1B800] =	vst v63  }
0x177: {  	s19 =	simm.s32 $0xC000  }
0x178: {  	[tilespmem:s19], [sflag:$0x2] =	stream.indirect_vreg.gather [hbm4b:s5+s4], $0x80, v12, vm0, $0xb8;
	[tilespmem:$0x1B800] =	vst v63  }
0x179: {  	s22 =	simm.s32 $0xC800  }
0x17a: {  	[tilespmem:s22], [sflag:$0x2] =	stream.indirect_vreg.gather [hbm4b:s7+s4], $0x80, v12, vm0, $0xb8;
	[tilespmem:$0x1B800] =	vst v63  }
0x17b: {  	s25 =	simm.s32 $0xD000  }
0x17c: {  	[tilespmem:s25], [sflag:$0x2] =	stream.indirect_vreg.gather [hbm4b:s8+s4], $0x80, v12, vm0, $0xb8;
	[tilespmem:$0x1B800] =	vst v63  }
0x17d: {  	s26 =	simm.s32 $0xD800  }
0x17e: {  	[tilespmem:s26], [sflag:$0x2] =	stream.indirect_vreg.gather [hbm4b:s9+s4], $0x80, v12, vm0, $0xb8;
	[tilespmem:$0x1B800] =	vst v63  }
0x17f: {  	s28 =	simm.s32 $0xE000  }
0x180: {  	[tilespmem:s28], [sflag:$0x2] =	stream.indirect_vreg.gather [hbm4b:s10+s4], $0x80, v12, vm0, $0xb8;
	[tilespmem:$0x1B800] =	vst v63  }
0x181: {  	s31 =	simm.s32 $0xE800  }
0x182: {  	[tilespmem:s31], [sflag:$0x2] =	stream.indirect_vreg.gather [hbm4b:s11+s4], $0x80, v12, vm0, $0xb8;
	[tilespmem:$0x1B800] =	vst v63  }
0x183: {  	s1 =	simm.s32 $0xF000  }
0x184: {  	[tilespmem:s1], [sflag:$0x2] =	stream.indirect_vreg.gather [hbm4b:s12+s4], $0x80, v12, vm0, $0xb8;
	[tilespmem:$0x1B800] =	vst v63  }
0x185: {  	s2 =	simm.s32 $0xF800  }
0x186: {  	[tilespmem:s2], [sflag:$0x2] =	stream.indirect_vreg.gather [hbm4b:s13+s4], $0x80, v12, vm0, $0xb8;
	[tilespmem:$0x1B800] =	vst v63  }
0x187: {  	s0 =	smov.u32 s23;
	s6 =	simm.s32 $0x10000  }
0x188: {  	[tilespmem:s6], [sflag:$0x2] =	stream.indirect_vreg.gather [hbm4b:s14+s4], $0x80, v12, vm0, $0xb8;
	[tilespmem:$0x1B800] =	vst v63  }
0x189: {  	s29 =	simm.s32 $0x0;
	s19 =	simm.s32 $0x10800;
	s22 =	simm.s32 $0x11000  }
0x18a: {  	[tilespmem:s19], [sflag:$0x2] =	stream.indirect_vreg.gather [hbm4b:s15+s4], $0x80, v12, vm0, $0xb8;
	[tilespmem:$0x1B800] =	vst v63  }
0x18b: {  	s25 =	simm.s32 $0x11800;
	s26 =	simm.s32 $0x12000;
	s28 =	simm.s32 $0x12800  }
0x18c: {  	[tilespmem:s22], [sflag:$0x2] =	stream.indirect_vreg.gather [hbm4b:s16+s4], $0x80, v12, vm0, $0xb8;
	[tilespmem:$0x1B800] =	vst v63  }
0x18d: {  	s31 =	simm.s32 $0x13000;
	s2 =	simm.s32 $0x1;
	s6 =	simm.s32 $0x2  }
0x18e: {  	[tilespmem:s25], [sflag:$0x2] =	stream.indirect_vreg.gather [hbm4b:s17+s4], $0x80, v12, vm0, $0xb8;
	[tilespmem:$0x1B800] =	vst v63  }
0x18f: {  	s19 =	smov.u32 s17;
	s22 =	simm.s32 $0x4000;
	s25 =	simm.s32 $0x1200  }
0x190: {  	[tilespmem:s26], [sflag:$0x2] =	stream.indirect_vreg.gather [hbm4b:s18+s4], $0x80, v12, vm0, $0xb8;
	[tilespmem:$0x1B800] =	vst v63  }
0x191: {  	s17 =	smov.u32 s15;
	s15 =	smov.u32 s13;
	s13 =	smov.u32 s11  }
0x192: {  	[tilespmem:s28], [sflag:$0x2] =	stream.indirect_vreg.gather [hbm4b:s21+s4], $0x80, v12, vm0, $0xb8;
	[tilespmem:$0x1B800] =	vst v63  }
0x193: {  	s11 =	smov.u32 s9;
	s9 =	smov.u32 s7;
	s7 =	rddreg [dreg:$0x17]  }
0x194: {  	[tilespmem:s31], [sflag:$0x2] =	stream.indirect_vreg.gather [hbm4b:s20+s4], $0x80, v12, vm0, $0xb8;
	[tilespmem:$0x1B800] =	vst v63  }
.LBB2_2:
0x195: {  	s26 =	sand.u32 $0x18, s29  }
0x196: {  	s26 =	sor.u32 s7, s26  }
0x197: {  	s26 =	sshrl.u32 s26, $0x3  }
0x198: {  	s28 =	sadd.s32 $0xFFFFC000, s22;
	s26 =	smul.u32 $0xA0000, s26  }
0x199: {  	s28 =	sand.u32 $0xF8000, s28  }
0x19a: {  	_ =	swait.ge [sflag:s2], $0x8000;
	s26 =	sadd.s32 s28, s26  }
0x19b: {  	s31 =	simm.s32 $0x3800;
	[sflag:s2] =	ssyncset.done $0x0;
	s26 =	sshrl.u32 s26, $0x3  }
0x19c: {  	p0 =	seq.s32 s22, $0x4000;
	[sflag:s2] =	ssyncadd.s32 $0xFFFF8000;
	s26 =	sadd.s32 s3, s26  }
0x19d: {  	[hbm4b:s26+s4] =	stream.linear.scatter [tilespmem:s31], [sflag:$0x4], $0x8000, $0x38;
	[tilespmem:$0x1B800] =	vst v63  }
0x19e: {  	s26 =	simm.s32 @!p0 $0x6  }
0x19f: {  	_ =	swait.ge @!p0 [sflag:s26], $0x8000  }
0x1a0: {  	[sflag:s26] =	ssyncset.done @!p0 $0x0  }
0x1a1: {  	[sflag:s26] =	ssyncadd.s32 @!p0 $0xFFFF8000  }
0x1a2: {  	v12 =	vld.msk [tilespmem:s25+$0xFFFFFF00], $0xff;
	_ =	sdelay $0x4  }
0x1a3: {  	v13 =	vshll.u32 v12, $0x5  }
0x1a4: {  	v12 =	vand.u32 $0x7, v12;
	v13 =	vand.u32 $0xFFFFFF00, v13  }
0x1a5: {  	v12 =	vor.u32 v12, v13  }
0x1a6: {  	v12 =	vperm.xlane v12, v10;
	_ =	sdelay $0x1  }
0x1a7: {  	v12 =	vadd.s32 v11, v12;
	_ =	sdelay $0x4  }
0x1a8: {  	[tilespmem:s24], [sflag:$0x3] =	stream.indirect_vreg.gather [hbm4b:s0+s4], $0x80, v12, vm0, $0xb8;
	[tilespmem:$0x1B800] =	vst v63  }
0x1a9: {  	s23 =	rddreg [dreg:$0x4]  }
0x1aa: {  	[tilespmem:s23], [sflag:$0x3] =	stream.indirect_vreg.gather [hbm4b:s5+s4], $0x80, v12, vm0, $0xb8;
	[tilespmem:$0x1B800] =	vst v63  }
0x1ab: {  	s1 =	rddreg [dreg:$0x5]  }
0x1ac: {  	[tilespmem:s1], [sflag:$0x3] =	stream.indirect_vreg.gather [hbm4b:s9+s4], $0x80, v12, vm0, $0xb8;
	[tilespmem:$0x1B800] =	vst v63  }
0x1ad: {  	s23 =	rddreg [dreg:$0x6]  }
0x1ae: {  	[tilespmem:s23], [sflag:$0x3] =	stream.indirect_vreg.gather [hbm4b:s8+s4], $0x80, v12, vm0, $0xb8;
	[tilespmem:$0x1B800] =	vst v63  }
0x1af: {  	s1 =	rddreg [dreg:$0x7]  }
0x1b0: {  	[tilespmem:s1], [sflag:$0x3] =	stream.indirect_vreg.gather [hbm4b:s11+s4], $0x80, v12, vm0, $0xb8;
	[tilespmem:$0x1B800] =	vst v63  }
0x1b1: {  	s23 =	rddreg [dreg:$0x8]  }
0x1b2: {  	[tilespmem:s23], [sflag:$0x3] =	stream.indirect_vreg.gather [hbm4b:s10+s4], $0x80, v12, vm0, $0xb8;
	[tilespmem:$0x1B800] =	vst v63  }
0x1b3: {  	s1 =	rddreg [dreg:$0x9]  }
0x1b4: {  	[tilespmem:s1], [sflag:$0x3] =	stream.indirect_vreg.gather [hbm4b:s13+s4], $0x80, v12, vm0, $0xb8;
	[tilespmem:$0x1B800] =	vst v63  }
0x1b5: {  	s23 =	rddreg [dreg:$0xa]  }
0x1b6: {  	[tilespmem:s23], [sflag:$0x3] =	stream.indirect_vreg.gather [hbm4b:s12+s4], $0x80, v12, vm0, $0xb8;
	[tilespmem:$0x1B800] =	vst v63  }
0x1b7: {  	s1 =	rddreg [dreg:$0xb]  }
0x1b8: {  	[tilespmem:s1], [sflag:$0x3] =	stream.indirect_vreg.gather [hbm4b:s15+s4], $0x80, v12, vm0, $0xb8;
	[tilespmem:$0x1B800] =	vst v63  }
0x1b9: {  	s23 =	rddreg [dreg:$0xc]  }
0x1ba: {  	[tilespmem:s23], [sflag:$0x3] =	stream.indirect_vreg.gather [hbm4b:s14+s4], $0x80, v12, vm0, $0xb8;
	[tilespmem:$0x1B800] =	vst v63  }
0x1bb: {  	s1 =	rddreg [dreg:$0xd]  }
0x1bc: {  	[tilespmem:s1], [sflag:$0x3] =	stream.indirect_vreg.gather [hbm4b:s17+s4], $0x80, v12, vm0, $0xb8;
	[tilespmem:$0x1B800] =	vst v63  }
0x1bd: {  	s23 =	rddreg [dreg:$0xe]  }
0x1be: {  	[tilespmem:s23], [sflag:$0x3] =	stream.indirect_vreg.gather [hbm4b:s16+s4], $0x80, v12, vm0, $0xb8;
	[tilespmem:$0x1B800] =	vst v63  }
0x1bf: {  	s1 =	rddreg [dreg:$0xf]  }
0x1c0: {  	[tilespmem:s1], [sflag:$0x3] =	stream.indirect_vreg.gather [hbm4b:s19+s4], $0x80, v12, vm0, $0xb8;
	[tilespmem:$0x1B800] =	vst v63  }
0x1c1: {  	s23 =	rddreg [dreg:$0x10]  }
0x1c2: {  	[tilespmem:s23], [sflag:$0x3] =	stream.indirect_vreg.gather [hbm4b:s18+s4], $0x80, v12, vm0, $0xb8;
	[tilespmem:$0x1B800] =	vst v63  }
0x1c3: {  	s1 =	rddreg [dreg:$0x11]  }
0x1c4: {  	[tilespmem:s1], [sflag:$0x3] =	stream.indirect_vreg.gather [hbm4b:s21+s4], $0x80, v12, vm0, $0xb8;
	[tilespmem:$0x1B800] =	vst v63  }
0x1c5: {  	s1 =	sadd.s32 $0x8, s29  }
0x1c6: {  	s23 =	rddreg [dreg:$0x12];
	s26 =	sand.u32 $0x18, s1  }
0x1c7: {  	[tilespmem:s23], [sflag:$0x3] =	stream.indirect_vreg.gather [hbm4b:s20+s4], $0x80, v12, vm0, $0xb8;
	[tilespmem:$0x1B800] =	vst v63  }
0x1c8: {  	s26 =	sor.u32 s7, s26  }
0x1c9: {  	s26 =	sshrl.u32 s26, $0x3  }
0x1ca: {  	s23 =	sadd.s32 $0xFFFFE000, s22;
	s26 =	smul.u32 $0xA0000, s26  }
0x1cb: {  	s28 =	sand.u32 $0x1F8000, s23  }
0x1cc: {  	_ =	swait.ge [sflag:s6], $0x8000;
	s26 =	sadd.s32 s28, s26  }
0x1cd: {  	s1 =	simm.s32 $0x4;
	[sflag:s6] =	ssyncset.done $0x0;
	s26 =	sshrl.u32 s26, $0x3  }
0x1ce: {  	s23 =	simm.s32 $0xB800;
	[sflag:s6] =	ssyncadd.s32 $0xFFFF8000;
	s26 =	sadd.s32 s3, s26  }
0x1cf: {  	[hbm4b:s26+s4] =	stream.linear.scatter [tilespmem:s23], [sflag:$0x5], $0x8000, $0x38;
	[tilespmem:$0x1B800] =	vst v63  }
0x1d0: {  	_ =	swait.ge [sflag:s1], $0x8000  }
0x1d1: {  	[sflag:s1] =	ssyncset.done $0x0  }
0x1d2: {  	[sflag:s1] =	ssyncadd.s32 $0xFFFF8000  }
0x1d3: {  	v12 =	vld.msk [tilespmem:s25+$0xFFFFFF80], $0xff;
	_ =	sdelay $0x4  }
0x1d4: {  	v13 =	vshll.u32 v12, $0x5  }
0x1d5: {  	v12 =	vand.u32 $0x7, v12;
	v13 =	vand.u32 $0xFFFFFF00, v13  }
0x1d6: {  	v12 =	vor.u32 v12, v13  }
0x1d7: {  	v12 =	vperm.xlane v12, v10;
	_ =	sdelay $0x1  }
0x1d8: {  	v12 =	vadd.s32 v11, v12;
	_ =	sdelay $0x4  }
0x1d9: {  	[tilespmem:s31], [sflag:$0x1] =	stream.indirect_vreg.gather [hbm4b:s0+s4], $0x80, v12, vm0, $0xb8;
	[tilespmem:$0x1B800] =	vst v63  }
0x1da: {  	s28 =	simm.s32 $0x4000  }
0x1db: {  	[tilespmem:s28], [sflag:$0x1] =	stream.indirect_vreg.gather [hbm4b:s5+s4], $0x80, v12, vm0, $0xb8;
	[tilespmem:$0x1B800] =	vst v63  }
0x1dc: {  	s31 =	simm.s32 $0x4800  }
0x1dd: {  	[tilespmem:s31], [sflag:$0x1] =	stream.indirect_vreg.gather [hbm4b:s9+s4], $0x80, v12, vm0, $0xb8;
	[tilespmem:$0x1B800] =	vst v63  }
0x1de: {  	s28 =	simm.s32 $0x5000  }
0x1df: {  	[tilespmem:s28], [sflag:$0x1] =	stream.indirect_vreg.gather [hbm4b:s8+s4], $0x80, v12, vm0, $0xb8;
	[tilespmem:$0x1B800] =	vst v63  }
0x1e0: {  	s28 =	simm.s32 $0x5800  }
0x1e1: {  	[tilespmem:s28], [sflag:$0x1] =	stream.indirect_vreg.gather [hbm4b:s11+s4], $0x80, v12, vm0, $0xb8;
	[tilespmem:$0x1B800] =	vst v63  }
0x1e2: {  	s28 =	simm.s32 $0x6000  }
0x1e3: {  	[tilespmem:s28], [sflag:$0x1] =	stream.indirect_vreg.gather [hbm4b:s10+s4], $0x80, v12, vm0, $0xb8;
	[tilespmem:$0x1B800] =	vst v63  }
0x1e4: {  	s28 =	simm.s32 $0x6800  }
0x1e5: {  	[tilespmem:s28], [sflag:$0x1] =	stream.indirect_vreg.gather [hbm4b:s13+s4], $0x80, v12, vm0, $0xb8;
	[tilespmem:$0x1B800] =	vst v63  }
0x1e6: {  	s28 =	simm.s32 $0x7000  }
0x1e7: {  	[tilespmem:s28], [sflag:$0x1] =	stream.indirect_vreg.gather [hbm4b:s12+s4], $0x80, v12, vm0, $0xb8;
	[tilespmem:$0x1B800] =	vst v63  }
0x1e8: {  	s28 =	simm.s32 $0x7800  }
0x1e9: {  	[tilespmem:s28], [sflag:$0x1] =	stream.indirect_vreg.gather [hbm4b:s15+s4], $0x80, v12, vm0, $0xb8;
	[tilespmem:$0x1B800] =	vst v63  }
0x1ea: {  	s28 =	simm.s32 $0x8000  }
0x1eb: {  	[tilespmem:s28], [sflag:$0x1] =	stream.indirect_vreg.gather [hbm4b:s14+s4], $0x80, v12, vm0, $0xb8;
	[tilespmem:$0x1B800] =	vst v63  }
0x1ec: {  	s28 =	simm.s32 $0x8800  }
0x1ed: {  	[tilespmem:s28], [sflag:$0x1] =	stream.indirect_vreg.gather [hbm4b:s17+s4], $0x80, v12, vm0, $0xb8;
	[tilespmem:$0x1B800] =	vst v63  }
0x1ee: {  	s28 =	simm.s32 $0x9000  }
0x1ef: {  	[tilespmem:s28], [sflag:$0x1] =	stream.indirect_vreg.gather [hbm4b:s16+s4], $0x80, v12, vm0, $0xb8;
	[tilespmem:$0x1B800] =	vst v63  }
0x1f0: {  	s28 =	simm.s32 $0x9800  }
0x1f1: {  	[tilespmem:s28], [sflag:$0x1] =	stream.indirect_vreg.gather [hbm4b:s19+s4], $0x80, v12, vm0, $0xb8;
	[tilespmem:$0x1B800] =	vst v63  }
0x1f2: {  	s28 =	simm.s32 $0xA000  }
0x1f3: {  	[tilespmem:s28], [sflag:$0x1] =	stream.indirect_vreg.gather [hbm4b:s18+s4], $0x80, v12, vm0, $0xb8;
	[tilespmem:$0x1B800] =	vst v63  }
0x1f4: {  	s28 =	simm.s32 $0xA800  }
0x1f5: {  	[tilespmem:s28], [sflag:$0x1] =	stream.indirect_vreg.gather [hbm4b:s21+s4], $0x80, v12, vm0, $0xb8;
	[tilespmem:$0x1B800] =	vst v63  }
0x1f6: {  	s28 =	simm.s32 $0xB000  }
0x1f7: {  	[tilespmem:s28], [sflag:$0x1] =	stream.indirect_vreg.gather [hbm4b:s20+s4], $0x80, v12, vm0, $0xb8;
	[tilespmem:$0x1B800] =	vst v63  }
0x1f8: {  	s28 =	sadd.s32 $0x10, s29  }
0x1f9: {  	s26 =	sand.u32 $0x18, s28  }
0x1fa: {  	s26 =	sor.u32 s7, s26  }
0x1fb: {  	s26 =	sshrl.u32 s26, $0x3  }
0x1fc: {  	s26 =	smul.u32 $0xA0000, s26  }
0x1fd: {  	s28 =	sand.u32 $0x1F8000, s22  }
0x1fe: {  	_ =	swait.ge [sflag:s30], $0x8000;
	s26 =	sadd.s32 s28, s26  }
0x1ff: {  	[sflag:s30] =	ssyncset.done $0x0;
	s26 =	sshrl.u32 s26, $0x3  }
0x200: {  	[sflag:s30] =	ssyncadd.s32 $0xFFFF8000;
	s28 =	simm.s32 $0x5;
	s26 =	sadd.s32 s3, s26  }
0x201: {  	[hbm4b:s26+s4] =	stream.linear.scatter [tilespmem:s24], [sflag:$0x6], $0x8000, $0x38;
	[tilespmem:$0x1B800] =	vst v63  }
0x202: {  	_ =	swait.ge [sflag:s28], $0x8000  }
0x203: {  	[sflag:s28] =	ssyncset.done $0x0  }
0x204: {  	[sflag:s28] =	ssyncadd.s32 $0xFFFF8000  }
0x205: {  	v12 =	vld.msk [tilespmem:s25+$0x0], $0xff;
	_ =	sdelay $0x4  }
0x206: {  	v13 =	vshll.u32 v12, $0x5  }
0x207: {  	v12 =	vand.u32 $0x7, v12;
	v13 =	vand.u32 $0xFFFFFF00, v13  }
0x208: {  	v12 =	vor.u32 v12, v13  }
0x209: {  	v12 =	vperm.xlane v12, v10;
	_ =	sdelay $0x1  }
0x20a: {  	v12 =	vadd.s32 v11, v12;
	_ =	sdelay $0x4  }
0x20b: {  	[tilespmem:s23], [sflag:$0x2] =	stream.indirect_vreg.gather [hbm4b:s0+s4], $0x80, v12, vm0, $0xb8;
	[tilespmem:$0x1B800] =	vst v63  }
0x20c: {  	s28 =	simm.s32 $0xC000  }
0x20d: {  	[tilespmem:s28], [sflag:$0x2] =	stream.indirect_vreg.gather [hbm4b:s5+s4], $0x80, v12, vm0, $0xb8;
	[tilespmem:$0x1B800] =	vst v63  }
0x20e: {  	s28 =	simm.s32 $0xC800  }
0x20f: {  	[tilespmem:s28], [sflag:$0x2] =	stream.indirect_vreg.gather [hbm4b:s9+s4], $0x80, v12, vm0, $0xb8;
	[tilespmem:$0x1B800] =	vst v63  }
0x210: {  	s28 =	simm.s32 $0xD000  }
0x211: {  	[tilespmem:s28], [sflag:$0x2] =	stream.indirect_vreg.gather [hbm4b:s8+s4], $0x80, v12, vm0, $0xb8;
	[tilespmem:$0x1B800] =	vst v63  }
0x212: {  	s28 =	simm.s32 $0xD800  }
0x213: {  	[tilespmem:s28], [sflag:$0x2] =	stream.indirect_vreg.gather [hbm4b:s11+s4], $0x80, v12, vm0, $0xb8;
	[tilespmem:$0x1B800] =	vst v63  }
0x214: {  	s28 =	simm.s32 $0xE000  }
0x215: {  	[tilespmem:s28], [sflag:$0x2] =	stream.indirect_vreg.gather [hbm4b:s10+s4], $0x80, v12, vm0, $0xb8;
	[tilespmem:$0x1B800] =	vst v63  }
0x216: {  	s28 =	simm.s32 $0xE800  }
0x217: {  	[tilespmem:s28], [sflag:$0x2] =	stream.indirect_vreg.gather [hbm4b:s13+s4], $0x80, v12, vm0, $0xb8;
	[tilespmem:$0x1B800] =	vst v63  }
0x218: {  	s28 =	simm.s32 $0xF000  }
0x219: {  	[tilespmem:s28], [sflag:$0x2] =	stream.indirect_vreg.gather [hbm4b:s12+s4], $0x80, v12, vm0, $0xb8;
	[tilespmem:$0x1B800] =	vst v63  }
0x21a: {  	s28 =	simm.s32 $0xF800  }
0x21b: {  	[tilespmem:s28], [sflag:$0x2] =	stream.indirect_vreg.gather [hbm4b:s15+s4], $0x80, v12, vm0, $0xb8;
	[tilespmem:$0x1B800] =	vst v63  }
0x21c: {  	s28 =	simm.s32 $0x10000  }
0x21d: {  	[tilespmem:s28], [sflag:$0x2] =	stream.indirect_vreg.gather [hbm4b:s14+s4], $0x80, v12, vm0, $0xb8;
	[tilespmem:$0x1B800] =	vst v63  }
0x21e: {  	s28 =	simm.s32 $0x10800  }
0x21f: {  	[tilespmem:s28], [sflag:$0x2] =	stream.indirect_vreg.gather [hbm4b:s17+s4], $0x80, v12, vm0, $0xb8;
	[tilespmem:$0x1B800] =	vst v63  }
0x220: {  	s28 =	simm.s32 $0x11000  }
0x221: {  	[tilespmem:s28], [sflag:$0x2] =	stream.indirect_vreg.gather [hbm4b:s16+s4], $0x80, v12, vm0, $0xb8;
	[tilespmem:$0x1B800] =	vst v63  }
0x222: {  	s22 =	sadd.s32 $0x6000, s22;
	s28 =	simm.s32 $0x11800  }
0x223: {  	[tilespmem:s28], [sflag:$0x2] =	stream.indirect_vreg.gather [hbm4b:s19+s4], $0x80, v12, vm0, $0xb8;
	[tilespmem:$0x1B800] =	vst v63  }
0x224: {  	p0 =	sne.s32 s22, $0xA0000;
	s28 =	simm.s32 $0x12000  }
0x225: {  	[tilespmem:s28], [sflag:$0x2] =	stream.indirect_vreg.gather [hbm4b:s18+s4], $0x80, v12, vm0, $0xb8;
	[tilespmem:$0x1B800] =	vst v63  }
.Ltmp0:
0x226: {  	_ = 	snop;
	(pc) =	sbr.rel @p0 .LBB2_2-.Ltmp0, $4  }
0x227: {  	s1 =	simm.s32 $0x3800;
	s29 =	sadd.s32 $0x18, s29;
	s28 =	simm.s32 $0x12800  }
0x228: {  	[tilespmem:s28], [sflag:$0x2] =	stream.indirect_vreg.gather [hbm4b:s21+s4], $0x80, v12, vm0, $0xb8;
	[tilespmem:$0x1B800] =	vst v63  }
0x229: {  	s26 =	simm.s32 $0xB800;
	s25 =	sadd.s32 $0x180, s25;
	s28 =	simm.s32 $0x13000  }
0x22a: {  	[tilespmem:s28], [sflag:$0x2] =	stream.indirect_vreg.gather [hbm4b:s20+s4], $0x80, v12, vm0, $0xb8;
	[tilespmem:$0x1B800] =	vst v63  }
0x22b: {  	_ =	swait.ge [sflag:s2], $0x8000  }
0x22c: {  	[sflag:s2] =	ssyncset.done $0x0  }
0x22d: {  	s22 =	rddreg [dreg:$0x14];
	[sflag:s2] =	ssyncadd.s32 $0xFFFF8000  }
0x22e: {  	[hbm4b:s22+s4] =	stream.linear.scatter [tilespmem:s1], [sflag:$0x4], $0x8000, $0x38;
	[tilespmem:$0x1B800] =	vst v63  }
0x22f: {  	_ =	swait.ge [sflag:s6], $0x8000  }
0x230: {  	[sflag:s6] =	ssyncset.done $0x0  }
0x231: {  	s25 =	simm.s32 $0x6;
	s23 =	rddreg [dreg:$0x15];
	[sflag:s6] =	ssyncadd.s32 $0xFFFF8000  }
0x232: {  	[hbm4b:s23+s4] =	stream.linear.scatter [tilespmem:s26], [sflag:$0x5], $0x8000, $0x38;
	[tilespmem:$0x1B800] =	vst v63  }
0x233: {  	_ =	swait.ge [sflag:s25], $0x8000  }
0x234: {  	[sflag:s25] =	ssyncset.done $0x0  }
0x235: {  	s6 =	simm.s32 $0x4;
	[sflag:s25] =	ssyncadd.s32 $0xFFFF8000  }
0x236: {  	_ =	swait.ge [sflag:s6], $0x8000  }
0x237: {  	[sflag:s6] =	ssyncset.done $0x0  }
0x238: {  	s7 =	simm.s32 $0x5;
	[sflag:s6] =	ssyncadd.s32 $0xFFFF8000  }
0x239: {  	_ =	swait.ge [sflag:s7], $0x8000  }
0x23a: {  	s23 =	rddreg [dreg:$0x18]  }
0x23b: {  	s25 =	rddreg [dreg:$0x16];
	s6 =	sadd.s32 $0x1, s23  }
0x23c: {  	p0 =	sne.s32 s6, s25  }
.Ltmp1:
0x23d: {  	s28 =	simm.s32 $0x6000;
	[sflag:s7] =	ssyncset.done $0x0;
	(pc) =	sbr.rel @p0 .LBB2_1-.Ltmp1, $4  }
0x23e: {  	s29 =	simm.s32 $0x6800;
	s2 =	simm.s32 $0x4000;
	[sflag:s7] =	ssyncadd.s32 $0xFFFF8000  }
0x23f: {  	s23 =	smov.u32 s0;
	s0 =	simm.s32 $0x5000;
	s7 =	smov.u32 s9  }
0x240: {  	s9 =	smov.u32 s11;
	s11 =	smov.u32 s13;
	s13 =	smov.u32 s15  }
0x241: {  	s15 =	smov.u32 s17;
	s17 =	smov.u32 s19;
	s25 =	simm.s32 $0x5800  }
0x242: {  	_ =	sfence.sel $0x180000  }
0x243: {  	[bflag:$0x0] =	sbarrier.arrive $0xFFFF  }
0x244: {  	_ =	strace $0x90000047  }
0x245: {  	s0 =	stileid.u32;
	[bflag:$0x2] =	sbarrier.arrive $0xFFFF  }
0x246: {  	p0 =	sne.s32 s0, $0x0;
	s0 =	rddreg [dreg:$0x3]  }
0x247: {  	s0 =	sadd.s32 @!p0 $0x100000, s0  }
0x248: {  	[sflag:s0] =	ssyncadd.tile.s32 @!p0 $0x1;
	_ =	shalt  }
.Lfunc_end2:
_tile_overlayer_lowered:
.L_overlay_start_2:
0x249: {  	(tag) =	ssettag $0x2  }
0x24a: {  	s0 =	rddreg [dreg:$0x0];
	s2 =	stileid.u32  }
0x24b: {  	s1 =	rddreg [dreg:$0x1];
	p0 =	sne.s32 s2, $0x0  }
0x24c: {  	s3 =	rddreg [dreg:$0x2];
	[bflag:$0x3] =	sbarrier.arrive $0xFFFF;
	s2 =	simm.s32 @!p0 $0x1C07  }
0x24d: {  	[timem:s3], [sflag:s2] =	dma.local @!p0 [hbm:s0], s1  }
0x24e: {  	s0 =	simm.s32 @!p0 $0x7  }
0x24f: {  	_ =	swait.ge @!p0 [sflag:s0], s1  }
0x250: {  	s1 =	ssub.s32 @!p0 $0x0, s1;
	[sflag:s0] =	ssyncset.done @!p0 $0x0  }
0x251: {  	[sflag:s0] =	ssyncadd.s32 @!p0 s1  }
0x252: {  	[bflag:$0x3] =	sbarrier.arrive $0xFFFF  }
0x253: {  	_ =	shalt  }

</sc_bundles>
